<compile_context>
chip_gen: v7x
topology: tpu7x:2x2x1
jax: 0.10.2.dev20260603
libtpu: 0.0.44.dev20260713+nightly
codegen_flags: <defaults>
</compile_context>

<pallas_src>
import functools

import jax
import jax.numpy as jnp
from jax import lax
from jax.experimental import pallas as pl
from jax.experimental.pallas import tpu as pltpu
from jax.experimental.pallas import tpu_sc as plsc

NC = 2
NS = 16
L = 16
NW = NC * NS

BATCH = 16384
K = 16
KP = K // 2
B_PER_W = BATCH // NW
CHUNK = 128
N_CHUNK = B_PER_W // CHUNK
N_BLOCK = B_PER_W // L


def _mf_kernel(iu_hbm, ip_hbm, uemb_hbm, pemb_hbm, w_hbm, b_hbm, out_hbm,
               idxu_v, idxp_v, rows_u, rows_p, out_v, w_v, b_v, sem):
    wid = lax.axis_index("s") * NC + lax.axis_index("c")
    base_chunk = wid * N_CHUNK
    out_base = wid * B_PER_W

    pltpu.sync_copy(iu_hbm.at[pl.ds(base_chunk, N_CHUNK)], idxu_v)
    pltpu.sync_copy(ip_hbm.at[pl.ds(base_chunk, N_CHUNK)], idxp_v)
    pltpu.sync_copy(w_hbm, w_v)
    pltpu.sync_copy(b_hbm, b_v)

    copies = []
    for c in range(N_CHUNK):
        copies.append(pltpu.async_copy(
            uemb_hbm.at[idxu_v.at[c]], rows_u.at[pl.ds(c * CHUNK, CHUNK)],
            sem))
        copies.append(pltpu.async_copy(
            pemb_hbm.at[idxp_v.at[c]], rows_p.at[pl.ds(c * CHUNK, CHUNK)],
            sem))
    for cp in copies:
        cp.wait()

    iota = lax.iota(jnp.int32, L)
    col_ids = [jnp.full((L,), k, jnp.int32) for k in range(KP)]
    wk_vecs = [w_v[k, :] for k in range(K)]
    bias = b_v[...]

    def block(blk, _):
        row_idx = blk * L + iota
        acc = bias
        for k in range(KP):
            up = plsc.load_gather(rows_u, [row_idx, col_ids[k]])
            pp = plsc.load_gather(rows_p, [row_idx, col_ids[k]])
            ue, uo = plsc.unpack(plsc.bitcast(up, jnp.bfloat16),
                                 format=plsc.PackFormat.INTERLEAVED)
            pe, po = plsc.unpack(plsc.bitcast(pp, jnp.bfloat16),
                                 format=plsc.PackFormat.INTERLEAVED)
            acc = acc + (ue * pe) * wk_vecs[2 * k]
            acc = acc + (uo * po) * wk_vecs[2 * k + 1]
        out_v[pl.ds(blk * L, L)] = acc
        return 0

    lax.fori_loop(0, N_BLOCK, block, 0)

    pltpu.sync_copy(out_v, out_hbm.at[pl.ds(out_base, B_PER_W)])


@jax.jit
def _mf(iu, ip, upk, ppk, w_flat, b_vec):
    run = pl.kernel(
        _mf_kernel,
        out_type=jax.ShapeDtypeStruct((BATCH,), jnp.float32),
        mesh=plsc.VectorSubcoreMesh(core_axis_name="c", subcore_axis_name="s",
                                    num_cores=NC, num_subcores=NS),
        compiler_params=pltpu.CompilerParams(needs_layout_passes=False,
                                             use_tc_tiling_on_sc=False),
        scratch_types=[
            pltpu.VMEM((N_CHUNK, CHUNK), jnp.int32),
            pltpu.VMEM((N_CHUNK, CHUNK), jnp.int32),
            pltpu.VMEM((B_PER_W, KP), jnp.int32),
            pltpu.VMEM((B_PER_W, KP), jnp.int32),
            pltpu.VMEM((B_PER_W,), jnp.float32),
            pltpu.VMEM((K, L), jnp.float32),
            pltpu.VMEM((L,), jnp.float32),
            pltpu.SemaphoreType.DMA,
        ],
    )
    return run(iu, ip, upk, ppk, w_flat, b_vec)


def _pack_table(table):
    bf = table.astype(jnp.bfloat16).reshape(table.shape[0], KP, 2)
    packed = lax.bitcast_convert_type(bf, jnp.int32)
    return lax.optimization_barrier(packed)


def kernel(input_user, input_prob, user_emb, prob_emb, dense_w, dense_b):
    iu = input_user.reshape(NW * N_CHUNK, CHUNK)
    ip = input_prob.reshape(NW * N_CHUNK, CHUNK)
    w_bcast = jnp.broadcast_to(dense_w.reshape(K, 1), (K, L))
    b_vec = jnp.broadcast_to(dense_b, (L,))
    out = _mf(iu, ip, _pack_table(user_emb), _pack_table(prob_emb),
              w_bcast, b_vec)
    return out.reshape(BATCH, 1)

# --- scband reference (transcript-rebuilt; emitter-appended) ---
"""Pipeline reference for scband-mf-19009525252100 (READ-ONLY COPY).

The authoritative reference and input builder live on the scoring server;
editing this copy changes nothing except your own understanding.
"""

import jax, jax.numpy as jnp
import numpy as np

USER_NO = 1000000
PROB_NO = 100000
K = 16
BATCH = 16384


def setup_inputs(seed: int = 0) -> dict:
    key = jax.random.key(seed)
    k1, k2, k3, k4, k5, k6 = jax.random.split(key, 6)
    input_user = jax.random.randint(k1, (BATCH, 1), 0, USER_NO, dtype=jnp.int32)
    input_prob = jax.random.randint(k2, (BATCH, 1), 0, PROB_NO, dtype=jnp.int32)
    # learned parameters: keras Embedding default uniform(-0.05, 0.05), Dense glorot
    user_emb = jax.random.uniform(k3, (USER_NO, K), minval=-0.05, maxval=0.05, dtype=jnp.float32)
    prob_emb = jax.random.uniform(k4, (PROB_NO, K), minval=-0.05, maxval=0.05, dtype=jnp.float32)
    limit = float(np.sqrt(6.0 / (K + 1)))
    dense_w = jax.random.uniform(k5, (K, 1), minval=-limit, maxval=limit, dtype=jnp.float32)
    dense_b = jnp.zeros((1,), dtype=jnp.float32)
    return {
        "input_user": input_user,
        "input_prob": input_prob,
        "user_emb": user_emb,
        "prob_emb": prob_emb,
        "dense_w": dense_w,
        "dense_b": dense_b,
    }


def reference(input_user, input_prob, user_emb, prob_emb, dense_w, dense_b):
    # Embedding lookup: [B, 1] -> [B, 1, K]
    eu = jnp.take(user_emb, input_user, axis=0)
    ep = jnp.take(prob_emb, input_prob, axis=0)
    # Flatten: [B, 1, K] -> [B, K]
    eu = eu.reshape(eu.shape[0], -1)
    ep = ep.reshape(ep.shape[0], -1)
    # Multiply (elementwise)
    mul = eu * ep
    # Dense(1)
    out = mul @ dense_w + dense_b
    return out

if __name__ == "__main__":
    import jax
    _d = setup_inputs()
    print(jax.jit(kernel)(*tuple(_d.values())))

</pallas_src>

<mosaic_0001>
#map = affine_map<(d0, d1) -> (0, 0)>
#map1 = affine_map<(d0, d1) -> (0)>
module attributes {stable_mosaic.version = 14 : i64} {
  func.func @_mf_kernel(%arg0: i32, %arg1: i32, %arg2: memref<128x128xi32, #tpu.memory_space<hbm>>, %arg3: memref<128x128xi32, #tpu.memory_space<hbm>>, %arg4: memref<1000000x8xi32, #tpu.memory_space<hbm>>, %arg5: memref<100000x8xi32, #tpu.memory_space<hbm>>, %arg6: memref<16x16xf32, #tpu.memory_space<hbm>>, %arg7: memref<16xf32, #tpu.memory_space<hbm>>, %arg8: memref<16384xf32, #tpu.memory_space<hbm>>, %arg9: memref<4x128xi32, #tpu.memory_space<vmem>>, %arg10: memref<4x128xi32, #tpu.memory_space<vmem>>, %arg11: memref<512x8xi32, #tpu.memory_space<vmem>>, %arg12: memref<512x8xi32, #tpu.memory_space<vmem>>, %arg13: memref<512xf32, #tpu.memory_space<vmem>>, %arg14: memref<16x16xf32, #tpu.memory_space<vmem>>, %arg15: memref<16xf32, #tpu.memory_space<vmem>>, %arg16: memref<!tpu.dma_semaphore, #tpu.memory_space<semaphore_mem>>) attributes {dimension_semantics = [#tpu.dimension_semantics<core_parallel>, #tpu.dimension_semantics<subcore_parallel>], iteration_bounds = array<i64: 2, 16>, scalar_prefetch = 0 : i64, scratch_operands = 8 : i64, tpu.core_type = #tpu.core_type<sc_vector_subcore>, window_params = [{transform_indices = #map}, {transform_indices = #map}, {transform_indices = #map}, {transform_indices = #map}, {transform_indices = #map}, {transform_indices = #map1}, {transform_indices = #map1}]} {
    %mul3A = arith.constant 2 : i32
    %mul3A_0 = arith.muli %arg1, %mul3A : i32
    %add3A = arith.addi %mul3A_0, %arg0 : i32
    %mul3A_1 = arith.constant 4 : i32
    %mul3A_2 = arith.muli %add3A, %mul3A_1 : i32
    %mul3A_3 = arith.constant 512 : i32
    %mul3A_4 = arith.muli %add3A, %mul3A_3 : i32
    "tpu.region"() ({
      %run_scoped3A = tpu.sem_alloc : memref<!tpu.dma_semaphore, #tpu.memory_space<semaphore_mem>>
      %dma_start3A_249 = arith.constant 0 : i32
      %dma_start3A_250 = tpu.memref_slice %arg2[%mul3A_2, %dma_start3A_249] : memref<128x128xi32, #tpu.memory_space<hbm>> -> memref<4x128xi32, #tpu.memory_space<hbm>>
      %dma_start3A_251 = arith.constant 0 : i32
      %dma_start3A_252 = tpu.memref_slice %arg2[%mul3A_2, %dma_start3A_251] : memref<128x128xi32, #tpu.memory_space<hbm>> -> memref<4x128xi32, #tpu.memory_space<hbm>>
      tpu.enqueue_dma source(%dma_start3A_252 : memref<4x128xi32, #tpu.memory_space<hbm>>) target(%arg9 : memref<4x128xi32, #tpu.memory_space<vmem>>) target_semaphore(%run_scoped3A : memref<!tpu.dma_semaphore, #tpu.memory_space<semaphore_mem>>)
      %dma_wait3A_253 = arith.constant 0 : i32
      %dma_wait3A_254 = tpu.memref_slice %arg2[%mul3A_2, %dma_wait3A_253] : memref<128x128xi32, #tpu.memory_space<hbm>> -> memref<4x128xi32, #tpu.memory_space<hbm>>
      %dma_wait3A_255 = arith.constant 0 : i32
      %dma_wait3A_256 = tpu.memref_slice %arg2[%mul3A_2, %dma_wait3A_255] : memref<128x128xi32, #tpu.memory_space<hbm>> -> memref<4x128xi32, #tpu.memory_space<hbm>>
      tpu.wait_dma2 semaphore(%run_scoped3A : memref<!tpu.dma_semaphore, #tpu.memory_space<semaphore_mem>>) src(%dma_wait3A_256 : memref<4x128xi32, #tpu.memory_space<hbm>>) dst(%arg9 : memref<4x128xi32, #tpu.memory_space<vmem>>)
      tpu.yield
    }) : () -> ()
    "tpu.region"() ({
      %run_scoped3A = tpu.sem_alloc : memref<!tpu.dma_semaphore, #tpu.memory_space<semaphore_mem>>
      %dma_start3A_249 = arith.constant 0 : i32
      %dma_start3A_250 = tpu.memref_slice %arg3[%mul3A_2, %dma_start3A_249] : memref<128x128xi32, #tpu.memory_space<hbm>> -> memref<4x128xi32, #tpu.memory_space<hbm>>
      %dma_start3A_251 = arith.constant 0 : i32
      %dma_start3A_252 = tpu.memref_slice %arg3[%mul3A_2, %dma_start3A_251] : memref<128x128xi32, #tpu.memory_space<hbm>> -> memref<4x128xi32, #tpu.memory_space<hbm>>
      tpu.enqueue_dma source(%dma_start3A_252 : memref<4x128xi32, #tpu.memory_space<hbm>>) target(%arg10 : memref<4x128xi32, #tpu.memory_space<vmem>>) target_semaphore(%run_scoped3A : memref<!tpu.dma_semaphore, #tpu.memory_space<semaphore_mem>>)
      %dma_wait3A_253 = arith.constant 0 : i32
      %dma_wait3A_254 = tpu.memref_slice %arg3[%mul3A_2, %dma_wait3A_253] : memref<128x128xi32, #tpu.memory_space<hbm>> -> memref<4x128xi32, #tpu.memory_space<hbm>>
      %dma_wait3A_255 = arith.constant 0 : i32
      %dma_wait3A_256 = tpu.memref_slice %arg3[%mul3A_2, %dma_wait3A_255] : memref<128x128xi32, #tpu.memory_space<hbm>> -> memref<4x128xi32, #tpu.memory_space<hbm>>
      tpu.wait_dma2 semaphore(%run_scoped3A : memref<!tpu.dma_semaphore, #tpu.memory_space<semaphore_mem>>) src(%dma_wait3A_256 : memref<4x128xi32, #tpu.memory_space<hbm>>) dst(%arg10 : memref<4x128xi32, #tpu.memory_space<vmem>>)
      tpu.yield
    }) : () -> ()
    "tpu.region"() ({
      %run_scoped3A = tpu.sem_alloc : memref<!tpu.dma_semaphore, #tpu.memory_space<semaphore_mem>>
      tpu.enqueue_dma source(%arg6 : memref<16x16xf32, #tpu.memory_space<hbm>>) target(%arg14 : memref<16x16xf32, #tpu.memory_space<vmem>>) target_semaphore(%run_scoped3A : memref<!tpu.dma_semaphore, #tpu.memory_space<semaphore_mem>>)
      tpu.wait_dma2 semaphore(%run_scoped3A : memref<!tpu.dma_semaphore, #tpu.memory_space<semaphore_mem>>) src(%arg6 : memref<16x16xf32, #tpu.memory_space<hbm>>) dst(%arg14 : memref<16x16xf32, #tpu.memory_space<vmem>>)
      tpu.yield
    }) : () -> ()
    "tpu.region"() ({
      %run_scoped3A = tpu.sem_alloc : memref<!tpu.dma_semaphore, #tpu.memory_space<semaphore_mem>>
      tpu.enqueue_dma source(%arg7 : memref<16xf32, #tpu.memory_space<hbm>>) target(%arg15 : memref<16xf32, #tpu.memory_space<vmem>>) target_semaphore(%run_scoped3A : memref<!tpu.dma_semaphore, #tpu.memory_space<semaphore_mem>>)
      tpu.wait_dma2 semaphore(%run_scoped3A : memref<!tpu.dma_semaphore, #tpu.memory_space<semaphore_mem>>) src(%arg7 : memref<16xf32, #tpu.memory_space<hbm>>) dst(%arg15 : memref<16xf32, #tpu.memory_space<vmem>>)
      tpu.yield
    }) : () -> ()
    %dma_start3A = arith.constant 0 : i32
    %dma_start3A_5 = arith.constant 0 : i32
    %dma_start3A_6 = arith.constant 0 : i32
    %dma_start3A_7 = tpu.memref_slice %arg11[%dma_start3A_5, %dma_start3A_6] : memref<512x8xi32, #tpu.memory_space<vmem>> -> memref<128x8xi32, #tpu.memory_space<vmem>>
    %dma_start3A_8 = arith.constant 0 : i32
    %dma_start3A_9 = tpu.memref_slice %arg9[%dma_start3A, %dma_start3A_8] : memref<4x128xi32, #tpu.memory_space<vmem>> -> memref<1x128xi32, #tpu.memory_space<vmem>>
    %dma_start3A_10 = tpu.memref_squeeze %dma_start3A_9 : memref<1x128xi32, #tpu.memory_space<vmem>> -> memref<128xi32, #tpu.memory_space<vmem>>
    %dma_start3A_11 = arith.constant 0 : i32
    %dma_start3A_12 = arith.constant 0 : i32
    %dma_start3A_13 = tpu.memref_slice %arg4[%dma_start3A_11, %dma_start3A_12] : memref<1000000x8xi32, #tpu.memory_space<hbm>> -> memref<1000000x8xi32, #tpu.memory_space<hbm>>
    tpu.enqueue_indirect_dma source(%dma_start3A_13 : memref<1000000x8xi32, #tpu.memory_space<hbm>>) target(%dma_start3A_7 : memref<128x8xi32, #tpu.memory_space<vmem>>) offsets(%dma_start3A_10 : memref<128xi32, #tpu.memory_space<vmem>>) semaphore(%arg16 : memref<!tpu.dma_semaphore, #tpu.memory_space<semaphore_mem>>)
    %dma_start3A_14 = arith.constant 0 : i32
    %dma_start3A_15 = arith.constant 0 : i32
    %dma_start3A_16 = arith.constant 0 : i32
    %dma_start3A_17 = tpu.memref_slice %arg12[%dma_start3A_15, %dma_start3A_16] : memref<512x8xi32, #tpu.memory_space<vmem>> -> memref<128x8xi32, #tpu.memory_space<vmem>>
    %dma_start3A_18 = arith.constant 0 : i32
    %dma_start3A_19 = tpu.memref_slice %arg10[%dma_start3A_14, %dma_start3A_18] : memref<4x128xi32, #tpu.memory_space<vmem>> -> memref<1x128xi32, #tpu.memory_space<vmem>>
    %dma_start3A_20 = tpu.memref_squeeze %dma_start3A_19 : memref<1x128xi32, #tpu.memory_space<vmem>> -> memref<128xi32, #tpu.memory_space<vmem>>
    %dma_start3A_21 = arith.constant 0 : i32
    %dma_start3A_22 = arith.constant 0 : i32
    %dma_start3A_23 = tpu.memref_slice %arg5[%dma_start3A_21, %dma_start3A_22] : memref<100000x8xi32, #tpu.memory_space<hbm>> -> memref<100000x8xi32, #tpu.memory_space<hbm>>
    tpu.enqueue_indirect_dma source(%dma_start3A_23 : memref<100000x8xi32, #tpu.memory_space<hbm>>) target(%dma_start3A_17 : memref<128x8xi32, #tpu.memory_space<vmem>>) offsets(%dma_start3A_20 : memref<128xi32, #tpu.memory_space<vmem>>) semaphore(%arg16 : memref<!tpu.dma_semaphore, #tpu.memory_space<semaphore_mem>>)
    %dma_start3A_24 = arith.constant 1 : i32
    %dma_start3A_25 = arith.constant 128 : i32
    %dma_start3A_26 = arith.constant 0 : i32
    %dma_start3A_27 = tpu.memref_slice %arg11[%dma_start3A_25, %dma_start3A_26] : memref<512x8xi32, #tpu.memory_space<vmem>> -> memref<128x8xi32, #tpu.memory_space<vmem>>
    %dma_start3A_28 = arith.constant 0 : i32
    %dma_start3A_29 = tpu.memref_slice %arg9[%dma_start3A_24, %dma_start3A_28] : memref<4x128xi32, #tpu.memory_space<vmem>> -> memref<1x128xi32, #tpu.memory_space<vmem>>
    %dma_start3A_30 = tpu.memref_squeeze %dma_start3A_29 : memref<1x128xi32, #tpu.memory_space<vmem>> -> memref<128xi32, #tpu.memory_space<vmem>>
    %dma_start3A_31 = arith.constant 0 : i32
    %dma_start3A_32 = arith.constant 0 : i32
    %dma_start3A_33 = tpu.memref_slice %arg4[%dma_start3A_31, %dma_start3A_32] : memref<1000000x8xi32, #tpu.memory_space<hbm>> -> memref<1000000x8xi32, #tpu.memory_space<hbm>>
    tpu.enqueue_indirect_dma source(%dma_start3A_33 : memref<1000000x8xi32, #tpu.memory_space<hbm>>) target(%dma_start3A_27 : memref<128x8xi32, #tpu.memory_space<vmem>>) offsets(%dma_start3A_30 : memref<128xi32, #tpu.memory_space<vmem>>) semaphore(%arg16 : memref<!tpu.dma_semaphore, #tpu.memory_space<semaphore_mem>>)
    %dma_start3A_34 = arith.constant 1 : i32
    %dma_start3A_35 = arith.constant 128 : i32
    %dma_start3A_36 = arith.constant 0 : i32
    %dma_start3A_37 = tpu.memref_slice %arg12[%dma_start3A_35, %dma_start3A_36] : memref<512x8xi32, #tpu.memory_space<vmem>> -> memref<128x8xi32, #tpu.memory_space<vmem>>
    %dma_start3A_38 = arith.constant 0 : i32
    %dma_start3A_39 = tpu.memref_slice %arg10[%dma_start3A_34, %dma_start3A_38] : memref<4x128xi32, #tpu.memory_space<vmem>> -> memref<1x128xi32, #tpu.memory_space<vmem>>
    %dma_start3A_40 = tpu.memref_squeeze %dma_start3A_39 : memref<1x128xi32, #tpu.memory_space<vmem>> -> memref<128xi32, #tpu.memory_space<vmem>>
    %dma_start3A_41 = arith.constant 0 : i32
    %dma_start3A_42 = arith.constant 0 : i32
    %dma_start3A_43 = tpu.memref_slice %arg5[%dma_start3A_41, %dma_start3A_42] : memref<100000x8xi32, #tpu.memory_space<hbm>> -> memref<100000x8xi32, #tpu.memory_space<hbm>>
    tpu.enqueue_indirect_dma source(%dma_start3A_43 : memref<100000x8xi32, #tpu.memory_space<hbm>>) target(%dma_start3A_37 : memref<128x8xi32, #tpu.memory_space<vmem>>) offsets(%dma_start3A_40 : memref<128xi32, #tpu.memory_space<vmem>>) semaphore(%arg16 : memref<!tpu.dma_semaphore, #tpu.memory_space<semaphore_mem>>)
    %dma_start3A_44 = arith.constant 2 : i32
    %dma_start3A_45 = arith.constant 256 : i32
    %dma_start3A_46 = arith.constant 0 : i32
    %dma_start3A_47 = tpu.memref_slice %arg11[%dma_start3A_45, %dma_start3A_46] : memref<512x8xi32, #tpu.memory_space<vmem>> -> memref<128x8xi32, #tpu.memory_space<vmem>>
    %dma_start3A_48 = arith.constant 0 : i32
    %dma_start3A_49 = tpu.memref_slice %arg9[%dma_start3A_44, %dma_start3A_48] : memref<4x128xi32, #tpu.memory_space<vmem>> -> memref<1x128xi32, #tpu.memory_space<vmem>>
    %dma_start3A_50 = tpu.memref_squeeze %dma_start3A_49 : memref<1x128xi32, #tpu.memory_space<vmem>> -> memref<128xi32, #tpu.memory_space<vmem>>
    %dma_start3A_51 = arith.constant 0 : i32
    %dma_start3A_52 = arith.constant 0 : i32
    %dma_start3A_53 = tpu.memref_slice %arg4[%dma_start3A_51, %dma_start3A_52] : memref<1000000x8xi32, #tpu.memory_space<hbm>> -> memref<1000000x8xi32, #tpu.memory_space<hbm>>
    tpu.enqueue_indirect_dma source(%dma_start3A_53 : memref<1000000x8xi32, #tpu.memory_space<hbm>>) target(%dma_start3A_47 : memref<128x8xi32, #tpu.memory_space<vmem>>) offsets(%dma_start3A_50 : memref<128xi32, #tpu.memory_space<vmem>>) semaphore(%arg16 : memref<!tpu.dma_semaphore, #tpu.memory_space<semaphore_mem>>)
    %dma_start3A_54 = arith.constant 2 : i32
    %dma_start3A_55 = arith.constant 256 : i32
    %dma_start3A_56 = arith.constant 0 : i32
    %dma_start3A_57 = tpu.memref_slice %arg12[%dma_start3A_55, %dma_start3A_56] : memref<512x8xi32, #tpu.memory_space<vmem>> -> memref<128x8xi32, #tpu.memory_space<vmem>>
    %dma_start3A_58 = arith.constant 0 : i32
    %dma_start3A_59 = tpu.memref_slice %arg10[%dma_start3A_54, %dma_start3A_58] : memref<4x128xi32, #tpu.memory_space<vmem>> -> memref<1x128xi32, #tpu.memory_space<vmem>>
    %dma_start3A_60 = tpu.memref_squeeze %dma_start3A_59 : memref<1x128xi32, #tpu.memory_space<vmem>> -> memref<128xi32, #tpu.memory_space<vmem>>
    %dma_start3A_61 = arith.constant 0 : i32
    %dma_start3A_62 = arith.constant 0 : i32
    %dma_start3A_63 = tpu.memref_slice %arg5[%dma_start3A_61, %dma_start3A_62] : memref<100000x8xi32, #tpu.memory_space<hbm>> -> memref<100000x8xi32, #tpu.memory_space<hbm>>
    tpu.enqueue_indirect_dma source(%dma_start3A_63 : memref<100000x8xi32, #tpu.memory_space<hbm>>) target(%dma_start3A_57 : memref<128x8xi32, #tpu.memory_space<vmem>>) offsets(%dma_start3A_60 : memref<128xi32, #tpu.memory_space<vmem>>) semaphore(%arg16 : memref<!tpu.dma_semaphore, #tpu.memory_space<semaphore_mem>>)
    %dma_start3A_64 = arith.constant 3 : i32
    %dma_start3A_65 = arith.constant 384 : i32
    %dma_start3A_66 = arith.constant 0 : i32
    %dma_start3A_67 = tpu.memref_slice %arg11[%dma_start3A_65, %dma_start3A_66] : memref<512x8xi32, #tpu.memory_space<vmem>> -> memref<128x8xi32, #tpu.memory_space<vmem>>
    %dma_start3A_68 = arith.constant 0 : i32
    %dma_start3A_69 = tpu.memref_slice %arg9[%dma_start3A_64, %dma_start3A_68] : memref<4x128xi32, #tpu.memory_space<vmem>> -> memref<1x128xi32, #tpu.memory_space<vmem>>
    %dma_start3A_70 = tpu.memref_squeeze %dma_start3A_69 : memref<1x128xi32, #tpu.memory_space<vmem>> -> memref<128xi32, #tpu.memory_space<vmem>>
    %dma_start3A_71 = arith.constant 0 : i32
    %dma_start3A_72 = arith.constant 0 : i32
    %dma_start3A_73 = tpu.memref_slice %arg4[%dma_start3A_71, %dma_start3A_72] : memref<1000000x8xi32, #tpu.memory_space<hbm>> -> memref<1000000x8xi32, #tpu.memory_space<hbm>>
    tpu.enqueue_indirect_dma source(%dma_start3A_73 : memref<1000000x8xi32, #tpu.memory_space<hbm>>) target(%dma_start3A_67 : memref<128x8xi32, #tpu.memory_space<vmem>>) offsets(%dma_start3A_70 : memref<128xi32, #tpu.memory_space<vmem>>) semaphore(%arg16 : memref<!tpu.dma_semaphore, #tpu.memory_space<semaphore_mem>>)
    %dma_start3A_74 = arith.constant 3 : i32
    %dma_start3A_75 = arith.constant 384 : i32
    %dma_start3A_76 = arith.constant 0 : i32
    %dma_start3A_77 = tpu.memref_slice %arg12[%dma_start3A_75, %dma_start3A_76] : memref<512x8xi32, #tpu.memory_space<vmem>> -> memref<128x8xi32, #tpu.memory_space<vmem>>
    %dma_start3A_78 = arith.constant 0 : i32
    %dma_start3A_79 = tpu.memref_slice %arg10[%dma_start3A_74, %dma_start3A_78] : memref<4x128xi32, #tpu.memory_space<vmem>> -> memref<1x128xi32, #tpu.memory_space<vmem>>
    %dma_start3A_80 = tpu.memref_squeeze %dma_start3A_79 : memref<1x128xi32, #tpu.memory_space<vmem>> -> memref<128xi32, #tpu.memory_space<vmem>>
    %dma_start3A_81 = arith.constant 0 : i32
    %dma_start3A_82 = arith.constant 0 : i32
    %dma_start3A_83 = tpu.memref_slice %arg5[%dma_start3A_81, %dma_start3A_82] : memref<100000x8xi32, #tpu.memory_space<hbm>> -> memref<100000x8xi32, #tpu.memory_space<hbm>>
    tpu.enqueue_indirect_dma source(%dma_start3A_83 : memref<100000x8xi32, #tpu.memory_space<hbm>>) target(%dma_start3A_77 : memref<128x8xi32, #tpu.memory_space<vmem>>) offsets(%dma_start3A_80 : memref<128xi32, #tpu.memory_space<vmem>>) semaphore(%arg16 : memref<!tpu.dma_semaphore, #tpu.memory_space<semaphore_mem>>)
    %dma_wait3A = arith.constant 0 : i32
    %dma_wait3A_84 = arith.constant 0 : i32
    %dma_wait3A_85 = arith.constant 0 : i32
    %dma_wait3A_86 = tpu.memref_slice %arg11[%dma_wait3A_84, %dma_wait3A_85] : memref<512x8xi32, #tpu.memory_space<vmem>> -> memref<128x8xi32, #tpu.memory_space<vmem>>
    %dma_wait3A_87 = arith.constant 0 : i32
    %dma_wait3A_88 = tpu.memref_slice %arg9[%dma_wait3A, %dma_wait3A_87] : memref<4x128xi32, #tpu.memory_space<vmem>> -> memref<1x128xi32, #tpu.memory_space<vmem>>
    %dma_wait3A_89 = tpu.memref_squeeze %dma_wait3A_88 : memref<1x128xi32, #tpu.memory_space<vmem>> -> memref<128xi32, #tpu.memory_space<vmem>>
    %dma_wait3A_90 = arith.constant 0 : i32
    %dma_wait3A_91 = arith.constant 0 : i32
    %dma_wait3A_92 = tpu.memref_slice %arg4[%dma_wait3A_90, %dma_wait3A_91] : memref<1000000x8xi32, #tpu.memory_space<hbm>> -> memref<1000000x8xi32, #tpu.memory_space<hbm>>
    tpu.wait_indirect_dma semaphore(%arg16 : memref<!tpu.dma_semaphore, #tpu.memory_space<semaphore_mem>>) src(%dma_wait3A_92 : memref<1000000x8xi32, #tpu.memory_space<hbm>>) dst(%dma_wait3A_86 : memref<128x8xi32, #tpu.memory_space<vmem>>)
    %dma_wait3A_93 = arith.constant 0 : i32
    %dma_wait3A_94 = arith.constant 0 : i32
    %dma_wait3A_95 = arith.constant 0 : i32
    %dma_wait3A_96 = tpu.memref_slice %arg12[%dma_wait3A_94, %dma_wait3A_95] : memref<512x8xi32, #tpu.memory_space<vmem>> -> memref<128x8xi32, #tpu.memory_space<vmem>>
    %dma_wait3A_97 = arith.constant 0 : i32
    %dma_wait3A_98 = tpu.memref_slice %arg10[%dma_wait3A_93, %dma_wait3A_97] : memref<4x128xi32, #tpu.memory_space<vmem>> -> memref<1x128xi32, #tpu.memory_space<vmem>>
    %dma_wait3A_99 = tpu.memref_squeeze %dma_wait3A_98 : memref<1x128xi32, #tpu.memory_space<vmem>> -> memref<128xi32, #tpu.memory_space<vmem>>
    %dma_wait3A_100 = arith.constant 0 : i32
    %dma_wait3A_101 = arith.constant 0 : i32
    %dma_wait3A_102 = tpu.memref_slice %arg5[%dma_wait3A_100, %dma_wait3A_101] : memref<100000x8xi32, #tpu.memory_space<hbm>> -> memref<100000x8xi32, #tpu.memory_space<hbm>>
    tpu.wait_indirect_dma semaphore(%arg16 : memref<!tpu.dma_semaphore, #tpu.memory_space<semaphore_mem>>) src(%dma_wait3A_102 : memref<100000x8xi32, #tpu.memory_space<hbm>>) dst(%dma_wait3A_96 : memref<128x8xi32, #tpu.memory_space<vmem>>)
    %dma_wait3A_103 = arith.constant 1 : i32
    %dma_wait3A_104 = arith.constant 128 : i32
    %dma_wait3A_105 = arith.constant 0 : i32
    %dma_wait3A_106 = tpu.memref_slice %arg11[%dma_wait3A_104, %dma_wait3A_105] : memref<512x8xi32, #tpu.memory_space<vmem>> -> memref<128x8xi32, #tpu.memory_space<vmem>>
    %dma_wait3A_107 = arith.constant 0 : i32
    %dma_wait3A_108 = tpu.memref_slice %arg9[%dma_wait3A_103, %dma_wait3A_107] : memref<4x128xi32, #tpu.memory_space<vmem>> -> memref<1x128xi32, #tpu.memory_space<vmem>>
    %dma_wait3A_109 = tpu.memref_squeeze %dma_wait3A_108 : memref<1x128xi32, #tpu.memory_space<vmem>> -> memref<128xi32, #tpu.memory_space<vmem>>
    %dma_wait3A_110 = arith.constant 0 : i32
    %dma_wait3A_111 = arith.constant 0 : i32
    %dma_wait3A_112 = tpu.memref_slice %arg4[%dma_wait3A_110, %dma_wait3A_111] : memref<1000000x8xi32, #tpu.memory_space<hbm>> -> memref<1000000x8xi32, #tpu.memory_space<hbm>>
    tpu.wait_indirect_dma semaphore(%arg16 : memref<!tpu.dma_semaphore, #tpu.memory_space<semaphore_mem>>) src(%dma_wait3A_112 : memref<1000000x8xi32, #tpu.memory_space<hbm>>) dst(%dma_wait3A_106 : memref<128x8xi32, #tpu.memory_space<vmem>>)
    %dma_wait3A_113 = arith.constant 1 : i32
    %dma_wait3A_114 = arith.constant 128 : i32
    %dma_wait3A_115 = arith.constant 0 : i32
    %dma_wait3A_116 = tpu.memref_slice %arg12[%dma_wait3A_114, %dma_wait3A_115] : memref<512x8xi32, #tpu.memory_space<vmem>> -> memref<128x8xi32, #tpu.memory_space<vmem>>
    %dma_wait3A_117 = arith.constant 0 : i32
    %dma_wait3A_118 = tpu.memref_slice %arg10[%dma_wait3A_113, %dma_wait3A_117] : memref<4x128xi32, #tpu.memory_space<vmem>> -> memref<1x128xi32, #tpu.memory_space<vmem>>
    %dma_wait3A_119 = tpu.memref_squeeze %dma_wait3A_118 : memref<1x128xi32, #tpu.memory_space<vmem>> -> memref<128xi32, #tpu.memory_space<vmem>>
    %dma_wait3A_120 = arith.constant 0 : i32
    %dma_wait3A_121 = arith.constant 0 : i32
    %dma_wait3A_122 = tpu.memref_slice %arg5[%dma_wait3A_120, %dma_wait3A_121] : memref<100000x8xi32, #tpu.memory_space<hbm>> -> memref<100000x8xi32, #tpu.memory_space<hbm>>
    tpu.wait_indirect_dma semaphore(%arg16 : memref<!tpu.dma_semaphore, #tpu.memory_space<semaphore_mem>>) src(%dma_wait3A_122 : memref<100000x8xi32, #tpu.memory_space<hbm>>) dst(%dma_wait3A_116 : memref<128x8xi32, #tpu.memory_space<vmem>>)
    %dma_wait3A_123 = arith.constant 2 : i32
    %dma_wait3A_124 = arith.constant 256 : i32
    %dma_wait3A_125 = arith.constant 0 : i32
    %dma_wait3A_126 = tpu.memref_slice %arg11[%dma_wait3A_124, %dma_wait3A_125] : memref<512x8xi32, #tpu.memory_space<vmem>> -> memref<128x8xi32, #tpu.memory_space<vmem>>
    %dma_wait3A_127 = arith.constant 0 : i32
    %dma_wait3A_128 = tpu.memref_slice %arg9[%dma_wait3A_123, %dma_wait3A_127] : memref<4x128xi32, #tpu.memory_space<vmem>> -> memref<1x128xi32, #tpu.memory_space<vmem>>
    %dma_wait3A_129 = tpu.memref_squeeze %dma_wait3A_128 : memref<1x128xi32, #tpu.memory_space<vmem>> -> memref<128xi32, #tpu.memory_space<vmem>>
    %dma_wait3A_130 = arith.constant 0 : i32
    %dma_wait3A_131 = arith.constant 0 : i32
    %dma_wait3A_132 = tpu.memref_slice %arg4[%dma_wait3A_130, %dma_wait3A_131] : memref<1000000x8xi32, #tpu.memory_space<hbm>> -> memref<1000000x8xi32, #tpu.memory_space<hbm>>
    tpu.wait_indirect_dma semaphore(%arg16 : memref<!tpu.dma_semaphore, #tpu.memory_space<semaphore_mem>>) src(%dma_wait3A_132 : memref<1000000x8xi32, #tpu.memory_space<hbm>>) dst(%dma_wait3A_126 : memref<128x8xi32, #tpu.memory_space<vmem>>)
    %dma_wait3A_133 = arith.constant 2 : i32
    %dma_wait3A_134 = arith.constant 256 : i32
    %dma_wait3A_135 = arith.constant 0 : i32
    %dma_wait3A_136 = tpu.memref_slice %arg12[%dma_wait3A_134, %dma_wait3A_135] : memref<512x8xi32, #tpu.memory_space<vmem>> -> memref<128x8xi32, #tpu.memory_space<vmem>>
    %dma_wait3A_137 = arith.constant 0 : i32
    %dma_wait3A_138 = tpu.memref_slice %arg10[%dma_wait3A_133, %dma_wait3A_137] : memref<4x128xi32, #tpu.memory_space<vmem>> -> memref<1x128xi32, #tpu.memory_space<vmem>>
    %dma_wait3A_139 = tpu.memref_squeeze %dma_wait3A_138 : memref<1x128xi32, #tpu.memory_space<vmem>> -> memref<128xi32, #tpu.memory_space<vmem>>
    %dma_wait3A_140 = arith.constant 0 : i32
    %dma_wait3A_141 = arith.constant 0 : i32
    %dma_wait3A_142 = tpu.memref_slice %arg5[%dma_wait3A_140, %dma_wait3A_141] : memref<100000x8xi32, #tpu.memory_space<hbm>> -> memref<100000x8xi32, #tpu.memory_space<hbm>>
    tpu.wait_indirect_dma semaphore(%arg16 : memref<!tpu.dma_semaphore, #tpu.memory_space<semaphore_mem>>) src(%dma_wait3A_142 : memref<100000x8xi32, #tpu.memory_space<hbm>>) dst(%dma_wait3A_136 : memref<128x8xi32, #tpu.memory_space<vmem>>)
    %dma_wait3A_143 = arith.constant 3 : i32
    %dma_wait3A_144 = arith.constant 384 : i32
    %dma_wait3A_145 = arith.constant 0 : i32
    %dma_wait3A_146 = tpu.memref_slice %arg11[%dma_wait3A_144, %dma_wait3A_145] : memref<512x8xi32, #tpu.memory_space<vmem>> -> memref<128x8xi32, #tpu.memory_space<vmem>>
    %dma_wait3A_147 = arith.constant 0 : i32
    %dma_wait3A_148 = tpu.memref_slice %arg9[%dma_wait3A_143, %dma_wait3A_147] : memref<4x128xi32, #tpu.memory_space<vmem>> -> memref<1x128xi32, #tpu.memory_space<vmem>>
    %dma_wait3A_149 = tpu.memref_squeeze %dma_wait3A_148 : memref<1x128xi32, #tpu.memory_space<vmem>> -> memref<128xi32, #tpu.memory_space<vmem>>
    %dma_wait3A_150 = arith.constant 0 : i32
    %dma_wait3A_151 = arith.constant 0 : i32
    %dma_wait3A_152 = tpu.memref_slice %arg4[%dma_wait3A_150, %dma_wait3A_151] : memref<1000000x8xi32, #tpu.memory_space<hbm>> -> memref<1000000x8xi32, #tpu.memory_space<hbm>>
    tpu.wait_indirect_dma semaphore(%arg16 : memref<!tpu.dma_semaphore, #tpu.memory_space<semaphore_mem>>) src(%dma_wait3A_152 : memref<1000000x8xi32, #tpu.memory_space<hbm>>) dst(%dma_wait3A_146 : memref<128x8xi32, #tpu.memory_space<vmem>>)
    %dma_wait3A_153 = arith.constant 3 : i32
    %dma_wait3A_154 = arith.constant 384 : i32
    %dma_wait3A_155 = arith.constant 0 : i32
    %dma_wait3A_156 = tpu.memref_slice %arg12[%dma_wait3A_154, %dma_wait3A_155] : memref<512x8xi32, #tpu.memory_space<vmem>> -> memref<128x8xi32, #tpu.memory_space<vmem>>
    %dma_wait3A_157 = arith.constant 0 : i32
    %dma_wait3A_158 = tpu.memref_slice %arg10[%dma_wait3A_153, %dma_wait3A_157] : memref<4x128xi32, #tpu.memory_space<vmem>> -> memref<1x128xi32, #tpu.memory_space<vmem>>
    %dma_wait3A_159 = tpu.memref_squeeze %dma_wait3A_158 : memref<1x128xi32, #tpu.memory_space<vmem>> -> memref<128xi32, #tpu.memory_space<vmem>>
    %dma_wait3A_160 = arith.constant 0 : i32
    %dma_wait3A_161 = arith.constant 0 : i32
    %dma_wait3A_162 = tpu.memref_slice %arg5[%dma_wait3A_160, %dma_wait3A_161] : memref<100000x8xi32, #tpu.memory_space<hbm>> -> memref<100000x8xi32, #tpu.memory_space<hbm>>
    tpu.wait_indirect_dma semaphore(%arg16 : memref<!tpu.dma_semaphore, #tpu.memory_space<semaphore_mem>>) src(%dma_wait3A_162 : memref<100000x8xi32, #tpu.memory_space<hbm>>) dst(%dma_wait3A_156 : memref<128x8xi32, #tpu.memory_space<vmem>>)
    %iota3A = tpu.iota {dimensions = array<i32: 0>} : vector<16xi32>
    %broadcast_in_dim3A = arith.constant 0 : i32
    %broadcast_in_dim3A_163 = vector.broadcast %broadcast_in_dim3A : i32 to vector<16xi32>
    %broadcast_in_dim3A_164 = arith.constant 1 : i32
    %broadcast_in_dim3A_165 = vector.broadcast %broadcast_in_dim3A_164 : i32 to vector<16xi32>
    %broadcast_in_dim3A_166 = arith.constant 2 : i32
    %broadcast_in_dim3A_167 = vector.broadcast %broadcast_in_dim3A_166 : i32 to vector<16xi32>
    %broadcast_in_dim3A_168 = arith.constant 3 : i32
    %broadcast_in_dim3A_169 = vector.broadcast %broadcast_in_dim3A_168 : i32 to vector<16xi32>
    %broadcast_in_dim3A_170 = arith.constant 4 : i32
    %broadcast_in_dim3A_171 = vector.broadcast %broadcast_in_dim3A_170 : i32 to vector<16xi32>
    %broadcast_in_dim3A_172 = arith.constant 5 : i32
    %broadcast_in_dim3A_173 = vector.broadcast %broadcast_in_dim3A_172 : i32 to vector<16xi32>
    %broadcast_in_dim3A_174 = arith.constant 6 : i32
    %broadcast_in_dim3A_175 = vector.broadcast %broadcast_in_dim3A_174 : i32 to vector<16xi32>
    %broadcast_in_dim3A_176 = arith.constant 7 : i32
    %broadcast_in_dim3A_177 = vector.broadcast %broadcast_in_dim3A_176 : i32 to vector<16xi32>
    %get3A = arith.constant 0 : i32
    %get3A_178 = arith.index_cast %get3A : i32 to index
    %get3A_179 = arith.constant 0 : index
    %get3A_180 = tpu.vector_load %arg14[%get3A_178, %get3A_179] {strides = array<i32>} : memref<16x16xf32, #tpu.memory_space<vmem>>, vector<16xf32>,
    %get3A_181 = arith.constant 1 : i32
    %get3A_182 = arith.index_cast %get3A_181 : i32 to index
    %get3A_183 = arith.constant 0 : index
    %get3A_184 = tpu.vector_load %arg14[%get3A_182, %get3A_183] {strides = array<i32>} : memref<16x16xf32, #tpu.memory_space<vmem>>, vector<16xf32>,
    %get3A_185 = arith.constant 2 : i32
    %get3A_186 = arith.index_cast %get3A_185 : i32 to index
    %get3A_187 = arith.constant 0 : index
    %get3A_188 = tpu.vector_load %arg14[%get3A_186, %get3A_187] {strides = array<i32>} : memref<16x16xf32, #tpu.memory_space<vmem>>, vector<16xf32>,
    %get3A_189 = arith.constant 3 : i32
    %get3A_190 = arith.index_cast %get3A_189 : i32 to index
    %get3A_191 = arith.constant 0 : index
    %get3A_192 = tpu.vector_load %arg14[%get3A_190, %get3A_191] {strides = array<i32>} : memref<16x16xf32, #tpu.memory_space<vmem>>, vector<16xf32>,
    %get3A_193 = arith.constant 4 : i32
    %get3A_194 = arith.index_cast %get3A_193 : i32 to index
    %get3A_195 = arith.constant 0 : index
    %get3A_196 = tpu.vector_load %arg14[%get3A_194, %get3A_195] {strides = array<i32>} : memref<16x16xf32, #tpu.memory_space<vmem>>, vector<16xf32>,
    %get3A_197 = arith.constant 5 : i32
    %get3A_198 = arith.index_cast %get3A_197 : i32 to index
    %get3A_199 = arith.constant 0 : index
    %get3A_200 = tpu.vector_load %arg14[%get3A_198, %get3A_199] {strides = array<i32>} : memref<16x16xf32, #tpu.memory_space<vmem>>, vector<16xf32>,
    %get3A_201 = arith.constant 6 : i32
    %get3A_202 = arith.index_cast %get3A_201 : i32 to index
    %get3A_203 = arith.constant 0 : index
    %get3A_204 = tpu.vector_load %arg14[%get3A_202, %get3A_203] {strides = array<i32>} : memref<16x16xf32, #tpu.memory_space<vmem>>, vector<16xf32>,
    %get3A_205 = arith.constant 7 : i32
    %get3A_206 = arith.index_cast %get3A_205 : i32 to index
    %get3A_207 = arith.constant 0 : index
    %get3A_208 = tpu.vector_load %arg14[%get3A_206, %get3A_207] {strides = array<i32>} : memref<16x16xf32, #tpu.memory_space<vmem>>, vector<16xf32>,
    %get3A_209 = arith.constant 8 : i32
    %get3A_210 = arith.index_cast %get3A_209 : i32 to index
    %get3A_211 = arith.constant 0 : index
    %get3A_212 = tpu.vector_load %arg14[%get3A_210, %get3A_211] {strides = array<i32>} : memref<16x16xf32, #tpu.memory_space<vmem>>, vector<16xf32>,
    %get3A_213 = arith.constant 9 : i32
    %get3A_214 = arith.index_cast %get3A_213 : i32 to index
    %get3A_215 = arith.constant 0 : index
    %get3A_216 = tpu.vector_load %arg14[%get3A_214, %get3A_215] {strides = array<i32>} : memref<16x16xf32, #tpu.memory_space<vmem>>, vector<16xf32>,
    %get3A_217 = arith.constant 10 : i32
    %get3A_218 = arith.index_cast %get3A_217 : i32 to index
    %get3A_219 = arith.constant 0 : index
    %get3A_220 = tpu.vector_load %arg14[%get3A_218, %get3A_219] {strides = array<i32>} : memref<16x16xf32, #tpu.memory_space<vmem>>, vector<16xf32>,
    %get3A_221 = arith.constant 11 : i32
    %get3A_222 = arith.index_cast %get3A_221 : i32 to index
    %get3A_223 = arith.constant 0 : index
    %get3A_224 = tpu.vector_load %arg14[%get3A_222, %get3A_223] {strides = array<i32>} : memref<16x16xf32, #tpu.memory_space<vmem>>, vector<16xf32>,
    %get3A_225 = arith.constant 12 : i32
    %get3A_226 = arith.index_cast %get3A_225 : i32 to index
    %get3A_227 = arith.constant 0 : index
    %get3A_228 = tpu.vector_load %arg14[%get3A_226, %get3A_227] {strides = array<i32>} : memref<16x16xf32, #tpu.memory_space<vmem>>, vector<16xf32>,
    %get3A_229 = arith.constant 13 : i32
    %get3A_230 = arith.index_cast %get3A_229 : i32 to index
    %get3A_231 = arith.constant 0 : index
    %get3A_232 = tpu.vector_load %arg14[%get3A_230, %get3A_231] {strides = array<i32>} : memref<16x16xf32, #tpu.memory_space<vmem>>, vector<16xf32>,
    %get3A_233 = arith.constant 14 : i32
    %get3A_234 = arith.index_cast %get3A_233 : i32 to index
    %get3A_235 = arith.constant 0 : index
    %get3A_236 = tpu.vector_load %arg14[%get3A_234, %get3A_235] {strides = array<i32>} : memref<16x16xf32, #tpu.memory_space<vmem>>, vector<16xf32>,
    %get3A_237 = arith.constant 15 : i32
    %get3A_238 = arith.index_cast %get3A_237 : i32 to index
    %get3A_239 = arith.constant 0 : index
    %get3A_240 = tpu.vector_load %arg14[%get3A_238, %get3A_239] {strides = array<i32>} : memref<16x16xf32, #tpu.memory_space<vmem>>, vector<16xf32>,
    %get3A_241 = arith.constant 0 : index
    %get3A_242 = tpu.vector_load %arg15[%get3A_241] {strides = array<i32>} : memref<16xf32, #tpu.memory_space<vmem>>, vector<16xf32>,
    %scan3A = arith.constant 0 : i32
    %scan3A_243 = arith.constant 0 : i32
    %scan3A_244 = arith.constant 32 : i32
    %scan3A_245 = arith.addi %scan3A_243, %scan3A_244 : i32
    %scan3A_246 = arith.constant 1 : i32
    %scan3A_247 = scf.for %scan3A_249 = %scan3A_243 to %scan3A_245 step %scan3A_246 iter_args(%scan3A_250 = %scan3A) -> (i32)  : i32 {
      %mul3A_251 = arith.constant 16 : i32
      %mul3A_252 = arith.muli %scan3A_249, %mul3A_251 : i32
      %add3A_253 = vector.broadcast %mul3A_252 : i32 to vector<16xi32>
      %add3A_254 = arith.addi %add3A_253, %iota3A : vector<16xi32>
      %gather3A = tpu.vector_load_idx %arg11[%add3A_254, %broadcast_in_dim3A_163] : memref<512x8xi32, #tpu.memory_space<vmem>>[vector<16xi32>, vector<16xi32>], vector<16xi32>,
      %gather3A_255 = tpu.vector_load_idx %arg12[%add3A_254, %broadcast_in_dim3A_163] : memref<512x8xi32, #tpu.memory_space<vmem>>[vector<16xi32>, vector<16xi32>], vector<16xi32>,
      %bitcast3A = vector.bitcast %gather3A : vector<16xi32> to vector<32xbf16>
      %unpack3A = tpu.unpack_subelements %bitcast3A, 0 {pack_format = #tpu.pack_format<interleaved>} : vector<32xbf16> -> vector<16xf32>
      %unpack3A_256 = tpu.unpack_subelements %bitcast3A, 1 {pack_format = #tpu.pack_format<interleaved>} : vector<32xbf16> -> vector<16xf32>
      %bitcast3A_257 = vector.bitcast %gather3A_255 : vector<16xi32> to vector<32xbf16>
      %unpack3A_258 = tpu.unpack_subelements %bitcast3A_257, 0 {pack_format = #tpu.pack_format<interleaved>} : vector<32xbf16> -> vector<16xf32>
      %unpack3A_259 = tpu.unpack_subelements %bitcast3A_257, 1 {pack_format = #tpu.pack_format<interleaved>} : vector<32xbf16> -> vector<16xf32>
      %mul3A_260 = arith.mulf %unpack3A, %unpack3A_258 : vector<16xf32>
      %mul3A_261 = arith.mulf %mul3A_260, %get3A_180 : vector<16xf32>
      %add3A_262 = arith.addf %get3A_242, %mul3A_261 : vector<16xf32>
      %mul3A_263 = arith.mulf %unpack3A_256, %unpack3A_259 : vector<16xf32>
      %mul3A_264 = arith.mulf %mul3A_263, %get3A_184 : vector<16xf32>
      %add3A_265 = arith.addf %add3A_262, %mul3A_264 : vector<16xf32>
      %gather3A_266 = tpu.vector_load_idx %arg11[%add3A_254, %broadcast_in_dim3A_165] : memref<512x8xi32, #tpu.memory_space<vmem>>[vector<16xi32>, vector<16xi32>], vector<16xi32>,
      %gather3A_267 = tpu.vector_load_idx %arg12[%add3A_254, %broadcast_in_dim3A_165] : memref<512x8xi32, #tpu.memory_space<vmem>>[vector<16xi32>, vector<16xi32>], vector<16xi32>,
      %bitcast3A_268 = vector.bitcast %gather3A_266 : vector<16xi32> to vector<32xbf16>
      %unpack3A_269 = tpu.unpack_subelements %bitcast3A_268, 0 {pack_format = #tpu.pack_format<interleaved>} : vector<32xbf16> -> vector<16xf32>
      %unpack3A_270 = tpu.unpack_subelements %bitcast3A_268, 1 {pack_format = #tpu.pack_format<interleaved>} : vector<32xbf16> -> vector<16xf32>
      %bitcast3A_271 = vector.bitcast %gather3A_267 : vector<16xi32> to vector<32xbf16>
      %unpack3A_272 = tpu.unpack_subelements %bitcast3A_271, 0 {pack_format = #tpu.pack_format<interleaved>} : vector<32xbf16> -> vector<16xf32>
      %unpack3A_273 = tpu.unpack_subelements %bitcast3A_271, 1 {pack_format = #tpu.pack_format<interleaved>} : vector<32xbf16> -> vector<16xf32>
      %mul3A_274 = arith.mulf %unpack3A_269, %unpack3A_272 : vector<16xf32>
      %mul3A_275 = arith.mulf %mul3A_274, %get3A_188 : vector<16xf32>
      %add3A_276 = arith.addf %add3A_265, %mul3A_275 : vector<16xf32>
      %mul3A_277 = arith.mulf %unpack3A_270, %unpack3A_273 : vector<16xf32>
      %mul3A_278 = arith.mulf %mul3A_277, %get3A_192 : vector<16xf32>
      %add3A_279 = arith.addf %add3A_276, %mul3A_278 : vector<16xf32>
      %gather3A_280 = tpu.vector_load_idx %arg11[%add3A_254, %broadcast_in_dim3A_167] : memref<512x8xi32, #tpu.memory_space<vmem>>[vector<16xi32>, vector<16xi32>], vector<16xi32>,
      %gather3A_281 = tpu.vector_load_idx %arg12[%add3A_254, %broadcast_in_dim3A_167] : memref<512x8xi32, #tpu.memory_space<vmem>>[vector<16xi32>, vector<16xi32>], vector<16xi32>,
      %bitcast3A_282 = vector.bitcast %gather3A_280 : vector<16xi32> to vector<32xbf16>
      %unpack3A_283 = tpu.unpack_subelements %bitcast3A_282, 0 {pack_format = #tpu.pack_format<interleaved>} : vector<32xbf16> -> vector<16xf32>
      %unpack3A_284 = tpu.unpack_subelements %bitcast3A_282, 1 {pack_format = #tpu.pack_format<interleaved>} : vector<32xbf16> -> vector<16xf32>
      %bitcast3A_285 = vector.bitcast %gather3A_281 : vector<16xi32> to vector<32xbf16>
      %unpack3A_286 = tpu.unpack_subelements %bitcast3A_285, 0 {pack_format = #tpu.pack_format<interleaved>} : vector<32xbf16> -> vector<16xf32>
      %unpack3A_287 = tpu.unpack_subelements %bitcast3A_285, 1 {pack_format = #tpu.pack_format<interleaved>} : vector<32xbf16> -> vector<16xf32>
      %mul3A_288 = arith.mulf %unpack3A_283, %unpack3A_286 : vector<16xf32>
      %mul3A_289 = arith.mulf %mul3A_288, %get3A_196 : vector<16xf32>
      %add3A_290 = arith.addf %add3A_279, %mul3A_289 : vector<16xf32>
      %mul3A_291 = arith.mulf %unpack3A_284, %unpack3A_287 : vector<16xf32>
      %mul3A_292 = arith.mulf %mul3A_291, %get3A_200 : vector<16xf32>
      %add3A_293 = arith.addf %add3A_290, %mul3A_292 : vector<16xf32>
      %gather3A_294 = tpu.vector_load_idx %arg11[%add3A_254, %broadcast_in_dim3A_169] : memref<512x8xi32, #tpu.memory_space<vmem>>[vector<16xi32>, vector<16xi32>], vector<16xi32>,
      %gather3A_295 = tpu.vector_load_idx %arg12[%add3A_254, %broadcast_in_dim3A_169] : memref<512x8xi32, #tpu.memory_space<vmem>>[vector<16xi32>, vector<16xi32>], vector<16xi32>,
      %bitcast3A_296 = vector.bitcast %gather3A_294 : vector<16xi32> to vector<32xbf16>
      %unpack3A_297 = tpu.unpack_subelements %bitcast3A_296, 0 {pack_format = #tpu.pack_format<interleaved>} : vector<32xbf16> -> vector<16xf32>
      %unpack3A_298 = tpu.unpack_subelements %bitcast3A_296, 1 {pack_format = #tpu.pack_format<interleaved>} : vector<32xbf16> -> vector<16xf32>
      %bitcast3A_299 = vector.bitcast %gather3A_295 : vector<16xi32> to vector<32xbf16>
      %unpack3A_300 = tpu.unpack_subelements %bitcast3A_299, 0 {pack_format = #tpu.pack_format<interleaved>} : vector<32xbf16> -> vector<16xf32>
      %unpack3A_301 = tpu.unpack_subelements %bitcast3A_299, 1 {pack_format = #tpu.pack_format<interleaved>} : vector<32xbf16> -> vector<16xf32>
      %mul3A_302 = arith.mulf %unpack3A_297, %unpack3A_300 : vector<16xf32>
      %mul3A_303 = arith.mulf %mul3A_302, %get3A_204 : vector<16xf32>
      %add3A_304 = arith.addf %add3A_293, %mul3A_303 : vector<16xf32>
      %mul3A_305 = arith.mulf %unpack3A_298, %unpack3A_301 : vector<16xf32>
      %mul3A_306 = arith.mulf %mul3A_305, %get3A_208 : vector<16xf32>
      %add3A_307 = arith.addf %add3A_304, %mul3A_306 : vector<16xf32>
      %gather3A_308 = tpu.vector_load_idx %arg11[%add3A_254, %broadcast_in_dim3A_171] : memref<512x8xi32, #tpu.memory_space<vmem>>[vector<16xi32>, vector<16xi32>], vector<16xi32>,
      %gather3A_309 = tpu.vector_load_idx %arg12[%add3A_254, %broadcast_in_dim3A_171] : memref<512x8xi32, #tpu.memory_space<vmem>>[vector<16xi32>, vector<16xi32>], vector<16xi32>,
      %bitcast3A_310 = vector.bitcast %gather3A_308 : vector<16xi32> to vector<32xbf16>
      %unpack3A_311 = tpu.unpack_subelements %bitcast3A_310, 0 {pack_format = #tpu.pack_format<interleaved>} : vector<32xbf16> -> vector<16xf32>
      %unpack3A_312 = tpu.unpack_subelements %bitcast3A_310, 1 {pack_format = #tpu.pack_format<interleaved>} : vector<32xbf16> -> vector<16xf32>
      %bitcast3A_313 = vector.bitcast %gather3A_309 : vector<16xi32> to vector<32xbf16>
      %unpack3A_314 = tpu.unpack_subelements %bitcast3A_313, 0 {pack_format = #tpu.pack_format<interleaved>} : vector<32xbf16> -> vector<16xf32>
      %unpack3A_315 = tpu.unpack_subelements %bitcast3A_313, 1 {pack_format = #tpu.pack_format<interleaved>} : vector<32xbf16> -> vector<16xf32>
      %mul3A_316 = arith.mulf %unpack3A_311, %unpack3A_314 : vector<16xf32>
      %mul3A_317 = arith.mulf %mul3A_316, %get3A_212 : vector<16xf32>
      %add3A_318 = arith.addf %add3A_307, %mul3A_317 : vector<16xf32>
      %mul3A_319 = arith.mulf %unpack3A_312, %unpack3A_315 : vector<16xf32>
      %mul3A_320 = arith.mulf %mul3A_319, %get3A_216 : vector<16xf32>
      %add3A_321 = arith.addf %add3A_318, %mul3A_320 : vector<16xf32>
      %gather3A_322 = tpu.vector_load_idx %arg11[%add3A_254, %broadcast_in_dim3A_173] : memref<512x8xi32, #tpu.memory_space<vmem>>[vector<16xi32>, vector<16xi32>], vector<16xi32>,
      %gather3A_323 = tpu.vector_load_idx %arg12[%add3A_254, %broadcast_in_dim3A_173] : memref<512x8xi32, #tpu.memory_space<vmem>>[vector<16xi32>, vector<16xi32>], vector<16xi32>,
      %bitcast3A_324 = vector.bitcast %gather3A_322 : vector<16xi32> to vector<32xbf16>
      %unpack3A_325 = tpu.unpack_subelements %bitcast3A_324, 0 {pack_format = #tpu.pack_format<interleaved>} : vector<32xbf16> -> vector<16xf32>
      %unpack3A_326 = tpu.unpack_subelements %bitcast3A_324, 1 {pack_format = #tpu.pack_format<interleaved>} : vector<32xbf16> -> vector<16xf32>
      %bitcast3A_327 = vector.bitcast %gather3A_323 : vector<16xi32> to vector<32xbf16>
      %unpack3A_328 = tpu.unpack_subelements %bitcast3A_327, 0 {pack_format = #tpu.pack_format<interleaved>} : vector<32xbf16> -> vector<16xf32>
      %unpack3A_329 = tpu.unpack_subelements %bitcast3A_327, 1 {pack_format = #tpu.pack_format<interleaved>} : vector<32xbf16> -> vector<16xf32>
      %mul3A_330 = arith.mulf %unpack3A_325, %unpack3A_328 : vector<16xf32>
      %mul3A_331 = arith.mulf %mul3A_330, %get3A_220 : vector<16xf32>
      %add3A_332 = arith.addf %add3A_321, %mul3A_331 : vector<16xf32>
      %mul3A_333 = arith.mulf %unpack3A_326, %unpack3A_329 : vector<16xf32>
      %mul3A_334 = arith.mulf %mul3A_333, %get3A_224 : vector<16xf32>
      %add3A_335 = arith.addf %add3A_332, %mul3A_334 : vector<16xf32>
      %gather3A_336 = tpu.vector_load_idx %arg11[%add3A_254, %broadcast_in_dim3A_175] : memref<512x8xi32, #tpu.memory_space<vmem>>[vector<16xi32>, vector<16xi32>], vector<16xi32>,
      %gather3A_337 = tpu.vector_load_idx %arg12[%add3A_254, %broadcast_in_dim3A_175] : memref<512x8xi32, #tpu.memory_space<vmem>>[vector<16xi32>, vector<16xi32>], vector<16xi32>,
      %bitcast3A_338 = vector.bitcast %gather3A_336 : vector<16xi32> to vector<32xbf16>
      %unpack3A_339 = tpu.unpack_subelements %bitcast3A_338, 0 {pack_format = #tpu.pack_format<interleaved>} : vector<32xbf16> -> vector<16xf32>
      %unpack3A_340 = tpu.unpack_subelements %bitcast3A_338, 1 {pack_format = #tpu.pack_format<interleaved>} : vector<32xbf16> -> vector<16xf32>
      %bitcast3A_341 = vector.bitcast %gather3A_337 : vector<16xi32> to vector<32xbf16>
      %unpack3A_342 = tpu.unpack_subelements %bitcast3A_341, 0 {pack_format = #tpu.pack_format<interleaved>} : vector<32xbf16> -> vector<16xf32>
      %unpack3A_343 = tpu.unpack_subelements %bitcast3A_341, 1 {pack_format = #tpu.pack_format<interleaved>} : vector<32xbf16> -> vector<16xf32>
      %mul3A_344 = arith.mulf %unpack3A_339, %unpack3A_342 : vector<16xf32>
      %mul3A_345 = arith.mulf %mul3A_344, %get3A_228 : vector<16xf32>
      %add3A_346 = arith.addf %add3A_335, %mul3A_345 : vector<16xf32>
      %mul3A_347 = arith.mulf %unpack3A_340, %unpack3A_343 : vector<16xf32>
      %mul3A_348 = arith.mulf %mul3A_347, %get3A_232 : vector<16xf32>
      %add3A_349 = arith.addf %add3A_346, %mul3A_348 : vector<16xf32>
      %gather3A_350 = tpu.vector_load_idx %arg11[%add3A_254, %broadcast_in_dim3A_177] : memref<512x8xi32, #tpu.memory_space<vmem>>[vector<16xi32>, vector<16xi32>], vector<16xi32>,
      %gather3A_351 = tpu.vector_load_idx %arg12[%add3A_254, %broadcast_in_dim3A_177] : memref<512x8xi32, #tpu.memory_space<vmem>>[vector<16xi32>, vector<16xi32>], vector<16xi32>,
      %bitcast3A_352 = vector.bitcast %gather3A_350 : vector<16xi32> to vector<32xbf16>
      %unpack3A_353 = tpu.unpack_subelements %bitcast3A_352, 0 {pack_format = #tpu.pack_format<interleaved>} : vector<32xbf16> -> vector<16xf32>
      %unpack3A_354 = tpu.unpack_subelements %bitcast3A_352, 1 {pack_format = #tpu.pack_format<interleaved>} : vector<32xbf16> -> vector<16xf32>
      %bitcast3A_355 = vector.bitcast %gather3A_351 : vector<16xi32> to vector<32xbf16>
      %unpack3A_356 = tpu.unpack_subelements %bitcast3A_355, 0 {pack_format = #tpu.pack_format<interleaved>} : vector<32xbf16> -> vector<16xf32>
      %unpack3A_357 = tpu.unpack_subelements %bitcast3A_355, 1 {pack_format = #tpu.pack_format<interleaved>} : vector<32xbf16> -> vector<16xf32>
      %mul3A_358 = arith.mulf %unpack3A_353, %unpack3A_356 : vector<16xf32>
      %mul3A_359 = arith.mulf %mul3A_358, %get3A_236 : vector<16xf32>
      %add3A_360 = arith.addf %add3A_349, %mul3A_359 : vector<16xf32>
      %mul3A_361 = arith.mulf %unpack3A_354, %unpack3A_357 : vector<16xf32>
      %mul3A_362 = arith.mulf %mul3A_361, %get3A_240 : vector<16xf32>
      %add3A_363 = arith.addf %add3A_360, %mul3A_362 : vector<16xf32>
      %mul3A_364 = arith.constant 16 : i32
      %mul3A_365 = arith.muli %scan3A_249, %mul3A_364 : i32
      %swap3A = arith.index_cast %mul3A_365 : i32 to index
      %swap3A_366 = tpu.vector_load %arg13[%swap3A] {strides = array<i32>} : memref<512xf32, #tpu.memory_space<vmem>>, vector<16xf32>,
      tpu.vector_store %arg13[%swap3A], %add3A_363 {strides = array<i32>} : memref<512xf32, #tpu.memory_space<vmem>>, vector<16xf32>,
      %scan3A_367 = arith.constant 0 : i32
      scf.yield %scan3A_367 : i32
    }
    %scan3A_248 = arith.constant 32 : i32
    "tpu.region"() ({
      %run_scoped3A = tpu.sem_alloc : memref<!tpu.dma_semaphore, #tpu.memory_space<semaphore_mem>>
      %dma_start3A_249 = tpu.memref_slice %arg8[%mul3A_4] : memref<16384xf32, #tpu.memory_space<hbm>> -> memref<512xf32, #tpu.memory_space<hbm>>
      %dma_start3A_250 = tpu.memref_slice %arg8[%mul3A_4] : memref<16384xf32, #tpu.memory_space<hbm>> -> memref<512xf32, #tpu.memory_space<hbm>>
      tpu.enqueue_dma source(%arg13 : memref<512xf32, #tpu.memory_space<vmem>>) target(%dma_start3A_250 : memref<512xf32, #tpu.memory_space<hbm>>) target_semaphore(%run_scoped3A : memref<!tpu.dma_semaphore, #tpu.memory_space<semaphore_mem>>)
      %dma_wait3A_251 = tpu.memref_slice %arg8[%mul3A_4] : memref<16384xf32, #tpu.memory_space<hbm>> -> memref<512xf32, #tpu.memory_space<hbm>>
      %dma_wait3A_252 = tpu.memref_slice %arg8[%mul3A_4] : memref<16384xf32, #tpu.memory_space<hbm>> -> memref<512xf32, #tpu.memory_space<hbm>>
      tpu.wait_dma2 semaphore(%run_scoped3A : memref<!tpu.dma_semaphore, #tpu.memory_space<semaphore_mem>>) src(%arg13 : memref<512xf32, #tpu.memory_space<vmem>>) dst(%dma_wait3A_252 : memref<512xf32, #tpu.memory_space<hbm>>)
      tpu.yield
    }) : () -> ()
    return
  }
}

</mosaic_0001>

<sc_bundles>
// kernel: _mf.3.cloned.1.call-start
scs
__scs_entry_jumppad:
0x0: {  	(pc) =	sbr.rel $0x88, $3  }
0x1: {  	(tag) =	ssettag $0x0;
	lr =	simm.s32 $0x1  }
0x2: {  	[smem:$0x3F9B] =	sst lr;
	_ =	strace $0xD0000000  }
0x3: {  	_ = 	snop  }
0x4: {  	_ = 	snop  }
0x5: {  	_ = 	snop  }
0x6: {  	_ = 	snop  }
0x7: {  	_ = 	snop  }
__scs_overlays_trampoline_lowered:
0x8: {  	[smem:$0x3FAA] =	sst s0  }
0x9: {  	[smem:$0x3FAB] =	sst s1  }
0xa: {  	[smem:$0x3FAC] =	sst s2  }
0xb: {  	[smem:$0x3FAD] =	sst s3  }
0xc: {  	[smem:$0x3FAE] =	sst s4  }
0xd: {  	[smem:$0x3FAF] =	sst s5  }
0xe: {  	[smem:$0x3FB0] =	sst s6  }
0xf: {  	[smem:$0x3FB1] =	sst s7  }
0x10: {  	[smem:$0x3FB2] =	sst s8  }
0x11: {  	[smem:$0x3FB3] =	sst s9;
	s0 =	simm.s32 @!p0 $0x0  }
0x12: {  	s1 =	sld [smem:$0x3F99];
	s0 =	simm.s32 @p0 $0x1  }
0x13: {  	[smem:$0x3FB4] =	sst s0;
	s0 =	simm.s32 @!p1 $0x0  }
0x14: {  	s2 =	sld [smem:$0x3F98];
	s0 =	simm.s32 @p1 $0x1  }
0x15: {  	[smem:$0x3FB5] =	sst s0;
	s0 =	simm.s32 @!p2 $0x0  }
0x16: {  	s3 =	sld [smem:$0x3FDB];
	s0 =	simm.s32 @p2 $0x1  }
0x17: {  	s4 =	simm.s32 $0x1BF5;
	[smem:$0x3FB7] =	sst s0  }
0x18: {  	s0 =	sld [smem:$0x3F9A];
	_ =	swait.ge [sflag:s4], $0x0  }
0x19: {  	s7 =	sld [smem:$0x3F9B]  }
0x1a: {  	s8 =	sadd.s32 $0xFFFFE003, lr  }
0x1b: {  	s9 =	sadd.s32 $0xFFFFFEF7, lr;
	s5 =	simm.s32 $0xFFFFFFFF;
	p2 =	slt.u32 s8, $0xFFFFF086  }
0x1c: {  	p1 =	slt.u32 s9, $0xF7A;
	s5 =	simm.s32 @!p2 $0x0  }
0x1d: {  	s5 =	simm.s32 @p1 $0x1;
	p0 =	seq.s32 s7, s2  }
0x1e: {  	s7 =	smul.u32 @!p0 $0xF7A, s2;
	p2 =	seq.s32 @!p0 s5, $0x0  }
0x1f: {  	s9 =	smul.u32 $0xF7A, s1;
	s8 =	simm.s32 @!p0 $0x1BF5;
	p2 =	por !p2, p0  }
0x20: {  	[sflag:s8] =	ssyncset.s32 @!p0 $0xFFFFF086;
	s6 =	sadd.s32 @!p0 s3, s7;
	s7 =	simm.s32 @!p0 $0x108  }
0x21: {  	s3 =	sadd.s32 s3, s9;
	s6 =	sadd.s32 @!p0 $0x88, s6;
	s7 =	simm.s32 @p2 $0x1082  }
0x22: {  	[simem:s7], [sflag:s8] =	dma.local @!p0 [hbm:s6], $0xF7A  }
0x23: {  	s9 =	sor.u32 $0xD0000000, s2;
	s6 =	simm.s32 $0x108;
	_ =	swait.ge @!p0 [sflag:s8], $0x0  }
0x24: {  	s3 =	sadd.s32 $0x88, s3;
	s6 =	simm.s32 @!p1 $0x1082;
	[sflag:s4] =	ssyncset.s32 $0xFFFFF086  }
0x25: {  	[simem:s6], [sflag:s4] =	dma.local [hbm:s3], $0xF7A  }
0x26: {  	[smem:$0x3F9B] =	sst s1;
	(tag) =	ssettag s2;
	_ =	strace s9  }
0x27: {  	s1 =	sld [smem:$0x3FAB]  }
0x28: {  	s2 =	sld [smem:$0x3FAC]  }
0x29: {  	s4 =	sld [smem:$0x3FAE]  }
0x2a: {  	p0 =	seq.s32 s5, $0x0;
	s5 =	sld [smem:$0x3FAF]  }
0x2b: {  	s6 =	sld [smem:$0x3FB0]  }
0x2c: {  	s7 =	sld [smem:$0x3FB1]  }
0x2d: {  	s3 =	simm.s32 $0x108;
	s8 =	sld [smem:$0x3FB2]  }
0x2e: {  	s3 =	simm.s32 @!p0 $0x1082;
	s9 =	sld [smem:$0x3FB3]  }
0x2f: {  	lr =	sadd.s32 s0, s3;
	s0 =	sld [smem:$0x3FAA]  }
0x30: {  	s3 =	sld [smem:$0x3FAD]  }
0x31: {  	[smem:$0x3FB6] =	sst s10  }
0x32: {  	s10 =	sld [smem:$0x3FB4];
	_ =	sdelay $0x3  }
0x33: {  	p0 =	seq.s32 s10, $0x1;
	s10 =	sld [smem:$0x3FB6];
	_ =	sdelay $0x3  }
0x34: {  	[smem:$0x3FB6] =	sst s10  }
0x35: {  	s10 =	sld [smem:$0x3FB5];
	_ =	sdelay $0x3  }
0x36: {  	p1 =	seq.s32 s10, $0x1;
	s10 =	sld [smem:$0x3FB6];
	_ =	sdelay $0x3  }
0x37: {  	[smem:$0x3FB6] =	sst s10  }
0x38: {  	s10 =	sld [smem:$0x3FB7]  }
0x39: {  	_ = 	snop;
	(pc) =	sbr.ind lr, $3  }
0x3a: {  	_ = 	snop  }
0x3b: {  	_ = 	snop  }
0x3c: {  	p2 =	seq.s32 s10, $0x1;
	s10 =	sld [smem:$0x3FB6]  }
0x3d: {  	_ =	shalt  }
0x3e: {  	_ =	shalt  }
0x3f: {  	_ =	shalt  }
0x40: {  	_ =	shalt  }
0x41: {  	_ =	shalt  }
0x42: {  	_ =	shalt  }
0x43: {  	_ =	shalt  }
0x44: {  	_ =	shalt  }
0x45: {  	_ =	shalt  }
0x46: {  	_ =	shalt  }
0x47: {  	_ =	shalt  }
0x48: {  	_ =	shalt  }
0x49: {  	_ =	shalt  }
0x4a: {  	_ =	shalt  }
0x4b: {  	_ =	shalt  }
0x4c: {  	_ =	shalt  }
0x4d: {  	_ =	shalt  }
0x4e: {  	_ =	shalt  }
0x4f: {  	_ =	shalt  }
0x50: {  	_ =	shalt  }
0x51: {  	_ =	shalt  }
0x52: {  	_ =	shalt  }
0x53: {  	_ =	shalt  }
0x54: {  	_ =	shalt  }
0x55: {  	_ =	shalt  }
0x56: {  	_ =	shalt  }
0x57: {  	_ =	shalt  }
0x58: {  	_ =	shalt  }
0x59: {  	_ =	shalt  }
0x5a: {  	_ =	shalt  }
0x5b: {  	_ =	shalt  }
0x5c: {  	_ =	shalt  }
0x5d: {  	_ =	shalt  }
0x5e: {  	_ =	shalt  }
0x5f: {  	_ =	shalt  }
0x60: {  	_ =	shalt  }
0x61: {  	_ =	shalt  }
0x62: {  	_ =	shalt  }
0x63: {  	_ =	shalt  }
0x64: {  	_ =	shalt  }
0x65: {  	_ =	shalt  }
0x66: {  	_ =	shalt  }
0x67: {  	_ =	shalt  }
0x68: {  	_ =	shalt  }
0x69: {  	_ =	shalt  }
0x6a: {  	_ =	shalt  }
0x6b: {  	_ =	shalt  }
0x6c: {  	_ =	shalt  }
0x6d: {  	_ =	shalt  }
0x6e: {  	_ =	shalt  }
0x6f: {  	_ =	shalt  }
0x70: {  	_ =	shalt  }
0x71: {  	_ =	shalt  }
0x72: {  	_ =	shalt  }
0x73: {  	_ =	shalt  }
0x74: {  	_ =	shalt  }
0x75: {  	_ =	shalt  }
0x76: {  	_ =	shalt  }
0x77: {  	_ =	shalt  }
0x78: {  	_ =	shalt  }
0x79: {  	_ =	shalt  }
0x7a: {  	_ =	shalt  }
0x7b: {  	_ =	shalt  }
0x7c: {  	_ =	shalt  }
0x7d: {  	_ =	shalt  }
0x7e: {  	_ =	shalt  }
0x7f: {  	_ =	shalt  }
0x80: {  	_ =	shalt  }
0x81: {  	_ =	shalt  }
0x82: {  	_ =	shalt  }
0x83: {  	_ =	shalt  }
0x84: {  	_ =	shalt  }
0x85: {  	_ =	shalt  }
0x86: {  	_ =	shalt  }
0x87: {  	_ =	shalt  }
.Lfunc_end0:
.L_simem_size_0:
called_computation_lowered:
.L_overlay_start_0:
0x88: {  	s2 =	sld [smem:$0x3FD9]  }
0x89: {  	s3 =	sld [smem:$0x3FFE];
	_ =	sdelay $0x1  }
0x8a: {  	s1 =	srdreg.scid  }
0x8b: {  	s0 =	sand.u32 $0x1, s1  }
0x8c: {  	s17 =	sshll.u32 s0, $0xA;
	s2 =	sadd.s32 s3, s2  }
0x8d: {  	s2 =	sadd.s32 s2, s17  }
0x8e: {  	[smem:$0x3FC2] =	sst s2  }
0x8f: {  	_ = 	snop  }
0x90: {  	s2 =	sld [smem:$0x3FC9]  }
0x91: {  	s18 =	sld [smem:$0x3FC8]  }
0x92: {  	s4 =	sld [smem:$0x3FC4]  }
0x93: {  	s5 =	sld [smem:$0x3FD0];
	(tm) =	ssettm $0x1  }
0x94: {  	s6 =	sld [smem:$0x3FFB];
	_ =	sdelay $0x3  }
0x95: {  	_ =	strace s6  }
0x96: {  	s6 =	sld [smem:$0x3FFC];
	_ =	sdelay $0x3  }
0x97: {  	_ =	strace s6  }
0x98: {  	s6 =	sld [smem:$0x3FFD];
	_ =	sdelay $0x3  }
0x99: {  	_ =	strace s6  }
0x9a: {  	_ =	strace $0x8FFFFFFF  }
0x9b: {  	s19 =	sld [smem:$0x3FDB];
	_ =	sdelay $0x1  }
0x9c: {  	s7 =	simm.s32 $_scs_section_size  }
0x9d: {  	s8 =	simm.s32 $_size__tile_overlayer_lowered;
	s9 =	simm.s32 $_tile_overlayer_lowered  }
0x9e: {  	s22 =	simm.s32 $0x1BFF;
	s21 =	sshll.u32 s9, $0x1;
	s6 =	sadd.s32 s7, s19  }
0x9f: {  	s10 =	simm.s32 $0x0;
	s20 =	sshll.u32 s8, $0x1;
	s8 =	sadd.s32 s21, s6  }
0xa0: {  	[timem:s10], [sflag:s22] =	dma.local [hbm:s8], s20  }
0xa1: {  	_ =	swait.ge [sflag:s22], s20  }
0xa2: {  	s7 =	ssub.s32 $0x0, s20;
	[sflag:s22] =	ssyncset.done $0x0  }
0xa3: {  	[sflag:s22] =	ssyncadd.s32 s7;
	_ =	sdelay $0x1  }
0xa4: {  	s23 =	simm.s32 $0x1B8B  }
0xa5: {  	_ =	swait.ge [sflag:s23], $0x1  }
0xa6: {  	[sflag:s23] =	ssyncset.done $0x0  }
0xa7: {  	s25 =	simm.s32 $0x1B8E;
	s24 =	sld [smem:$0x3FFE];
	[sflag:s23] =	ssyncadd.s32 $0xFFFFFFFF  }
0xa8: {  	s26 =	simm.s32 $execute0_lowered;
	[smem:$0x3FD2] =	sst s25  }
0xa9: {  	s8 =	sshll.u32 s26, $0x1;
	_ =	strace $0x80000046;
	[dreg:$0x1] =	wrdreg $0xFFFFFFFF  }
0xaa: {  	s28 =	simm.s32 $_size_execute0_lowered;
	s6 =	sadd.s32 s6, s8;
	[dreg:$0x0] =	wrdreg $0x0  }
0xab: {  	s8 =	sshll.u32 s28, $0x1;
	[dreg:$0x2] =	wrdreg s6  }
0xac: {  	[dreg:$0x3] =	wrdreg s8  }
0xad: {  	[dreg:$0x4] =	wrdreg $0xC0  }
0xae: {  	_ =	task [dreg:s10], $0x5FFFF  }
0xaf: {  	[dreg:$0x1] =	wrdreg $0xFFFFFFFF  }
0xb0: {  	[dreg:$0x0] =	wrdreg $0x60  }
0xb1: {  	[dreg:$0x2] =	wrdreg s2  }
0xb2: {  	[dreg:$0x3] =	wrdreg s18  }
0xb3: {  	[dreg:$0x4] =	wrdreg s24  }
0xb4: {  	[dreg:$0x5] =	wrdreg s4  }
0xb5: {  	[dreg:$0x6] =	wrdreg s5  }
0xb6: {  	[dreg:$0x7] =	wrdreg $0x9  }
0xb7: {  	_ =	task.clear_ibuf [dreg:s10], $0x8FFFF;
	_ =	strace $0x90000046  }
0xb8: {  	s29 =	simm.s32 $0x9;
	_ =	strace $0x80000048  }
0xb9: {  	_ =	swait.ge [sflag:s29], $0x1  }
0xba: {  	[sflag:s29] =	ssyncadd.s32 $0xFFFFFFFF  }
0xbb: {  	_ =	strace $0x90000048  }
0xbc: {  	_ =	sfence  }
0xbd: {  	s30 =	sld [smem:$0x0];
	_ =	sdelay $0x2  }
0xbe: {  	s31 =	sshll.u32 s1, $0xD;
	s1 =	sshrl.u32 s1, $0x2  }
0xbf: {  	s3 =	sand.u32 $0x4000, s31;
	s1 =	sadd.s32 s1, s30  }
0xc0: {  	s0 =	sor.u32 s3, s0;
	s1 =	sshll.u32 s1, $0x11  }
0xc1: {  	s0 =	sor.u32 s1, s0  }
0xc2: {  	s0 =	sadd.s32 $0x8F2B, s0  }
0xc3: {  	[sflag:s0] =	ssyncadd.remote.s32 $0x1  }
0xc4: {  	_ =	sfence.sel $0xFFFF  }
0xc5: {  	[dreg:$0x0] =	wrdreg $0xFFFFFFFF;
	(pc) =	sbr.abs _section_cstart, $3  }
0xc6: {  	[dreg:$0x1] =	wrdreg $0xFFFFFFFF  }
0xc7: {  	_ =	task.clear_ibuf [dreg:s10], $0x2FFFF;
	_ =	strace $0x9FFFFFFF  }
0xc8: {  	(tm) =	ssettm $0x7FFFFFFF  }
0xc9: {  	_ =	shalt  }
tec
execute0_lowered:
.L_overlay_start_1:
0x0: {  	(tag) =	ssettag $0x1  }
0x1: {  	s0 =	rddreg [dreg:$0x0]  }
0x2: {  	s1 =	rddreg [dreg:$0x1]  }
0x3: {  	s3 =	rddreg [dreg:$0x2]  }
0x4: {  	s9 =	rddreg [dreg:$0x4];
	s2 =	simm.s32 $0x0  }
0x5: {  	s5 =	srdreg.scid;
	s6 =	stileid.u32;
	s12 =	simm.s32 $0x200  }
0x6: {  	s13 =	simm.s32 $0x2600;
	s14 =	simm.s32 $0x2700;
	s15 =	simm.s32 $0x80  }
0x7: {  	s16 =	simm.s32 $0x400;
	s17 =	simm.s32 $0x1400;
	s18 =	simm.s32 $0x800  }
0x8: {  	s19 =	simm.s32 $0x280;
	s20 =	simm.s32 $0x1800;
	s21 =	simm.s32 $0x100  }
0x9: {  	s22 =	simm.s32 $0xC00;
	s23 =	simm.s32 $0x300;
	s24 =	simm.s32 $0x1C00  }
0xa: {  	s25 =	simm.s32 $0x180;
	s28 =	simm.s32 $0x380;
	s29 =	simm.s32 $0x2000  }
0xb: {  	s30 =	simm.s32 $0x1;
	s31 =	simm.s32 $0x2400;
	[smem:$0x7FF] =	sst s2  }
0xc: {  	s4 =	sadd.s32 $0xF42C00, s3;
	s5 =	sand.u32 $0x1, s5;
	s6 =	sshll.u32 s6, $0x7  }
0xd: {  	_ =	strace $0x80000047;
	s7 =	ssub.s32 $0x2, s5;
	s8 =	sshll.u32 s5, $0x6  }
0xe: {  	s5 =	sadd.s32 $0x187200, s3;
	s10 =	sshrl.u32 s7, $0x1;
	s11 =	sor.u32 s8, s6  }
0xf: {  	v0 =	vlaneseq.u32;
	s6 =	sadd.s32 $0x800, s3;
	s26 =	ssub.s32 s7, s10;
	s7 =	sadd.s32 s0, s11  }
0x10: {  	v0 =	vmul.u32 $0x8, v0;
	s8 =	sadd.s32 s1, s11;
	s9 =	sadd.s32 s9, s11;
	s11 =	simm.s32 $0x2  }
0x11: {  	s0 =	simm.s32 $0x0;
	s10 =	smax.u32 s26, $0x1;
	s26 =	simm.s32 $0x1000  }
.LBB2_1:
0x12: {  	[tilespmem:s2], [sflag:$0x2] =	stream.linear.gather [hbm4b:s7+s2], $0x200, $0x38;
	[tilespmem:$0x2710] =	vst v63  }
0x13: {  	_ =	swait.ge [sflag:s11], $0x200  }
0x14: {  	[sflag:s11] =	ssyncset.done $0x0  }
0x15: {  	[sflag:s11] =	ssyncadd.s32 $0xFFFFFE00  }
0x16: {  	[tilespmem:s12], [sflag:$0x2] =	stream.linear.gather [hbm4b:s8+s2], $0x200, $0x38;
	[tilespmem:$0x2710] =	vst v63  }
0x17: {  	_ =	swait.ge [sflag:s11], $0x200  }
0x18: {  	[sflag:s11] =	ssyncset.done $0x0  }
0x19: {  	[sflag:s11] =	ssyncadd.s32 $0xFFFFFE00  }
0x1a: {  	[tilespmem:s13], [sflag:$0x2] =	stream.linear.gather [hbm4b:s6+s2], $0x100, $0x38;
	[tilespmem:$0x2710] =	vst v63  }
0x1b: {  	_ =	swait.ge [sflag:s11], $0x100  }
0x1c: {  	[sflag:s11] =	ssyncset.done $0x0  }
0x1d: {  	[sflag:s11] =	ssyncadd.s32 $0xFFFFFF00  }
0x1e: {  	s1 =	rddreg [dreg:$0x3]  }
0x1f: {  	[tilespmem:s14], [sflag:$0x2] =	stream.linear.gather [hbm4b:s1+s2], $0x10, $0x38;
	[tilespmem:$0x2710] =	vst v63  }
0x20: {  	_ =	swait.ge [sflag:s11], $0x10  }
0x21: {  	[sflag:s11] =	ssyncset.done $0x0  }
0x22: {  	[sflag:s11] =	ssyncadd.s32 $0xFFFFFFF0  }
0x23: {  	[tilespmem:s16], [sflag:$0x1] =	stream.indirect.gather [hbm4b:s4+s15], $0x8, s2, s15, $0xb8;
	[tilespmem:$0x2710] =	vst v63  }
0x24: {  	_ = 	snop  }
0x25: {  	[tilespmem:s17], [sflag:$0x1] =	stream.indirect.gather [hbm4b:s5+s15], $0x8, s12, s15, $0xb8;
	[tilespmem:$0x2710] =	vst v63  }
0x26: {  	_ = 	snop  }
0x27: {  	[tilespmem:s18], [sflag:$0x1] =	stream.indirect.gather [hbm4b:s4+s15], $0x8, s15, s15, $0xb8;
	[tilespmem:$0x2710] =	vst v63  }
0x28: {  	_ = 	snop  }
0x29: {  	[tilespmem:s20], [sflag:$0x1] =	stream.indirect.gather [hbm4b:s5+s15], $0x8, s19, s15, $0xb8;
	[tilespmem:$0x2710] =	vst v63  }
0x2a: {  	_ = 	snop  }
0x2b: {  	[tilespmem:s22], [sflag:$0x1] =	stream.indirect.gather [hbm4b:s4+s15], $0x8, s21, s15, $0xb8;
	[tilespmem:$0x2710] =	vst v63  }
0x2c: {  	_ = 	snop  }
0x2d: {  	[tilespmem:s24], [sflag:$0x1] =	stream.indirect.gather [hbm4b:s5+s15], $0x8, s23, s15, $0xb8;
	[tilespmem:$0x2710] =	vst v63  }
0x2e: {  	_ = 	snop  }
0x2f: {  	[tilespmem:s26], [sflag:$0x1] =	stream.indirect.gather [hbm4b:s4+s15], $0x8, s25, s15, $0xb8;
	[tilespmem:$0x2710] =	vst v63  }
0x30: {  	_ = 	snop  }
0x31: {  	[tilespmem:s29], [sflag:$0x1] =	stream.indirect.gather [hbm4b:s5+s15], $0x8, s28, s15, $0xb8;
	[tilespmem:$0x2710] =	vst v63  }
0x32: {  	_ =	swait.ge [sflag:s30], $0x400  }
0x33: {  	[sflag:s30] =	ssyncset.done $0x0  }
0x34: {  	[sflag:s30] =	ssyncadd.s32 $0xFFFFFC00  }
0x35: {  	_ =	swait.ge [sflag:s30], $0x400  }
0x36: {  	[sflag:s30] =	ssyncset.done $0x0  }
0x37: {  	[sflag:s30] =	ssyncadd.s32 $0xFFFFFC00  }
0x38: {  	_ =	swait.ge [sflag:s30], $0x400  }
0x39: {  	[sflag:s30] =	ssyncset.done $0x0  }
0x3a: {  	[sflag:s30] =	ssyncadd.s32 $0xFFFFFC00  }
0x3b: {  	_ =	swait.ge [sflag:s30], $0x400  }
0x3c: {  	[sflag:s30] =	ssyncset.done $0x0  }
0x3d: {  	[sflag:s30] =	ssyncadd.s32 $0xFFFFFC00  }
0x3e: {  	_ =	swait.ge [sflag:s30], $0x400  }
0x3f: {  	[sflag:s30] =	ssyncset.done $0x0  }
0x40: {  	[sflag:s30] =	ssyncadd.s32 $0xFFFFFC00  }
0x41: {  	_ =	swait.ge [sflag:s30], $0x400  }
0x42: {  	[sflag:s30] =	ssyncset.done $0x0  }
0x43: {  	v1 =	vmov s2;
	[sflag:s30] =	ssyncadd.s32 $0xFFFFFC00  }
0x44: {  	v1 =	vshll.u32 v1, $0x3;
	_ =	swait.ge [sflag:s30], $0x400  }
0x45: {  	v11 =	vor.u32 v0, v1;
	[sflag:s30] =	ssyncset.done $0x0  }
0x46: {  	[sflag:s30] =	ssyncadd.s32 $0xFFFFFC00  }
0x47: {  	_ =	swait.ge [sflag:s30], $0x400  }
0x48: {  	[sflag:s30] =	ssyncset.done $0x0  }
0x49: {  	v2 =	vor.u32 $0x1, v11;
	[sflag:s30] =	ssyncadd.s32 $0xFFFFFC00  }
0x4a: {  	v3 =	vld.idx.msk [tilespmem:v11+s16+$0x0], $0xffff  }
0x4b: {  	v4 =	vld.idx.msk [tilespmem:v11+s17+$0x0], $0xffff  }
0x4c: {  	v7 =	vld [tilespmem:$0x2600]  }
0x4d: {  	v5 =	vor.u32 $0x2, v11;
	v1 =	vld [tilespmem:$0x2610]  }
0x4e: {  	v6 =	vld.idx.msk [tilespmem:v2+s16+$0x0], $0xffff  }
0x4f: {  	v8 =	vld.idx.msk [tilespmem:v2+s17+$0x0], $0xffff  }
0x50: {  	v9 =	vld [tilespmem:$0x2700];
	v10 =	vunpack.i.l.bf16.f32 v3;
	v12 =	vunpack.i.l.bf16.f32 v4  }
0x51: {  	v13 =	vor.u32 $0x3, v11;
	v2 =	vld [tilespmem:$0x2620];
	v10 =	vmul.f32 v12, v10  }
0x52: {  	v14 =	vld.idx.msk [tilespmem:v5+s17+$0x0], $0xffff;
	v3 =	vunpack.i.u.bf16.f32 v3;
	v4 =	vunpack.i.u.bf16.f32 v4  }
0x53: {  	v12 =	vld.idx.msk [tilespmem:v5+s16+$0x0], $0xffff;
	v4 =	vmul.f32 v4, v3;
	v10 =	vmul.f32 v10, v7  }
0x54: {  	v17 =	vor.u32 $0x4, v11;
	v15 =	vunpack.i.l.bf16.f32 v6;
	v16 =	vunpack.i.l.bf16.f32 v8;
	v5 =	vld [tilespmem:$0x2630]  }
0x55: {  	v3 =	vld [tilespmem:$0x2640];
	v15 =	vmul.f32 v16, v15;
	v4 =	vmul.f32 v4, v1;
	v10 =	vadd.f32 v10, v9  }
0x56: {  	v6 =	vunpack.i.u.bf16.f32 v6;
	v8 =	vunpack.i.u.bf16.f32 v8;
	v16 =	vld.idx.msk [tilespmem:v13+s16+$0x0], $0xffff  }
0x57: {  	v13 =	vld.idx.msk [tilespmem:v13+s17+$0x0], $0xffff;
	v6 =	vmul.f32 v8, v6;
	v15 =	vmul.f32 v15, v2;
	v10 =	vadd.f32 v10, v4  }
0x58: {  	v20 =	vor.u32 $0x5, v11;
	v19 =	vunpack.i.l.bf16.f32 v14;
	v8 =	vld [tilespmem:$0x2650];
	v18 =	vunpack.i.l.bf16.f32 v12  }
0x59: {  	v6 =	vmul.f32 v6, v5;
	v4 =	vld [tilespmem:$0x2660];
	v10 =	vadd.f32 v15, v10;
	v15 =	vmul.f32 v19, v18  }
0x5a: {  	v14 =	vunpack.i.u.bf16.f32 v14;
	v12 =	vunpack.i.u.bf16.f32 v12;
	v18 =	vld.idx.msk [tilespmem:v17+s16+$0x0], $0xffff  }
0x5b: {  	v12 =	vmul.f32 v14, v12;
	v17 =	vld.idx.msk [tilespmem:v17+s17+$0x0], $0xffff;
	v19 =	vadd.f32 v10, v6;
	v15 =	vmul.f32 v15, v3  }
0x5c: {  	v22 =	vor.u32 $0x6, v11;
	v21 =	vunpack.i.l.bf16.f32 v13;
	v14 =	vunpack.i.l.bf16.f32 v16;
	v10 =	vld [tilespmem:$0x2670]  }
0x5d: {  	v14 =	vmul.f32 v21, v14;
	v12 =	vmul.f32 v12, v8;
	v6 =	vld [tilespmem:$0x2680];
	v15 =	vadd.f32 v15, v19  }
0x5e: {  	v13 =	vunpack.i.u.bf16.f32 v13;
	v16 =	vunpack.i.u.bf16.f32 v16;
	v19 =	vld.idx.msk [tilespmem:v20+s16+$0x0], $0xffff  }
0x5f: {  	v13 =	vmul.f32 v13, v16;
	v14 =	vmul.f32 v14, v4;
	v20 =	vld.idx.msk [tilespmem:v20+s17+$0x0], $0xffff;
	v15 =	vadd.f32 v15, v12  }
0x60: {  	v23 =	vor.u32 $0x7, v11;
	v16 =	vunpack.i.l.bf16.f32 v18;
	v21 =	vunpack.i.l.bf16.f32 v17;
	v12 =	vld [tilespmem:$0x2690]  }
0x61: {  	v11 =	vld [tilespmem:$0x26A0];
	v13 =	vmul.f32 v13, v10;
	v14 =	vadd.f32 v14, v15;
	v15 =	vmul.f32 v21, v16  }
0x62: {  	v17 =	vunpack.i.u.bf16.f32 v17;
	v21 =	vld.idx.msk [tilespmem:v22+s16+$0x0], $0xffff;
	v16 =	vunpack.i.u.bf16.f32 v18  }
0x63: {  	v18 =	vld.idx.msk [tilespmem:v22+s17+$0x0], $0xffff;
	v16 =	vmul.f32 v17, v16;
	v22 =	vadd.f32 v14, v13;
	v15 =	vmul.f32 v15, v6  }
0x64: {  	v17 =	vunpack.i.l.bf16.f32 v19;
	v24 =	vunpack.i.l.bf16.f32 v20;
	v14 =	vld [tilespmem:$0x26B0]  }
0x65: {  	v13 =	vld [tilespmem:$0x26C0];
	v17 =	vmul.f32 v24, v17;
	v16 =	vmul.f32 v16, v12;
	v15 =	vadd.f32 v15, v22  }
0x66: {  	v19 =	vunpack.i.u.bf16.f32 v19;
	v20 =	vunpack.i.u.bf16.f32 v20;
	v22 =	vld.idx.msk [tilespmem:v23+s16+$0x0], $0xffff  }
0x67: {  	v19 =	vmul.f32 v20, v19;
	v23 =	vld.idx.msk [tilespmem:v23+s17+$0x0], $0xffff;
	v17 =	vmul.f32 v17, v11;
	v16 =	vadd.f32 v15, v16  }
0x68: {  	v20 =	vunpack.i.l.bf16.f32 v21;
	v46 =	vunpack.i.l.bf16.f32 v18;
	v15 =	vld [tilespmem:$0x26D0]  }
0x69: {  	v20 =	vmul.f32 v46, v20;
	v19 =	vmul.f32 v19, v14;
	v17 =	vadd.f32 v17, v16  }
0x6a: {  	v21 =	vunpack.i.u.bf16.f32 v21;
	v18 =	vunpack.i.u.bf16.f32 v18;
	v16 =	vld [tilespmem:$0x26E0]  }
0x6b: {  	v18 =	vmul.f32 v18, v21;
	v20 =	vmul.f32 v20, v13;
	v19 =	vadd.f32 v17, v19  }
0x6c: {  	v21 =	vunpack.i.l.bf16.f32 v22;
	v47 =	vunpack.i.l.bf16.f32 v23;
	v17 =	vld [tilespmem:$0x26F0]  }
0x6d: {  	s3 =	simm.s32 $0x10;
	v18 =	vmul.f32 v18, v15;
	v19 =	vadd.f32 v20, v19;
	v20 =	vmul.f32 v47, v21  }
0x6e: {  	v22 =	vunpack.i.u.bf16.f32 v22;
	v23 =	vunpack.i.u.bf16.f32 v23;
	v21 =	vmov s3  }
0x6f: {  	v18 =	vadd.f32 v19, v18;
	v19 =	vmul.f32 v20, v16;
	v20 =	vmul.f32 v23, v22  }
0x70: {  	v21 =	vshll.u32 v21, $0x3  }
0x71: {  	v21 =	vor.u32 v0, v21;
	v18 =	vadd.f32 v19, v18;
	v19 =	vmul.f32 v20, v17;
	_ =	sdelay $0x1  }
0x72: {  	v18 =	vadd.f32 v18, v19;
	_ =	sdelay $0x1  }
0x73: {  	v19 =	vor.u32 $0x1, v21;
	[tilespmem:s31+$0x0] =	vst v18  }
0x74: {  	v18 =	vld.idx.msk [tilespmem:v21+s16+$0x0], $0xffff  }
0x75: {  	v20 =	vld.idx.msk [tilespmem:v21+s17+$0x0], $0xffff;
	_ =	sdelay $0x1  }
0x76: {  	v22 =	vor.u32 $0x2, v21  }
0x77: {  	v23 =	vld.idx.msk [tilespmem:v19+s16+$0x0], $0xffff  }
0x78: {  	v19 =	vld.idx.msk [tilespmem:v19+s17+$0x0], $0xffff  }
0x79: {  	v48 =	vunpack.i.l.bf16.f32 v18;
	v25 =	vunpack.i.l.bf16.f32 v20  }
0x7a: {  	v26 =	vor.u32 $0x3, v21;
	v24 =	vmul.f32 v25, v48  }
0x7b: {  	v49 =	vld.idx.msk [tilespmem:v22+s16+$0x0], $0xffff;
	v18 =	vunpack.i.u.bf16.f32 v18;
	v20 =	vunpack.i.u.bf16.f32 v20  }
0x7c: {  	v22 =	vld.idx.msk [tilespmem:v22+s17+$0x0], $0xffff;
	v18 =	vmul.f32 v20, v18;
	v24 =	vmul.f32 v24, v7  }
0x7d: {  	v28 =	vor.u32 $0x4, v21;
	v20 =	vunpack.i.l.bf16.f32 v23;
	v27 =	vunpack.i.l.bf16.f32 v19  }
0x7e: {  	v18 =	vmul.f32 v18, v1;
	v20 =	vmul.f32 v27, v20;
	v24 =	vadd.f32 v24, v9  }
0x7f: {  	v50 =	vld.idx.msk [tilespmem:v26+s16+$0x0], $0xffff;
	v23 =	vunpack.i.u.bf16.f32 v23;
	v19 =	vunpack.i.u.bf16.f32 v19  }
0x80: {  	v26 =	vld.idx.msk [tilespmem:v26+s17+$0x0], $0xffff;
	v19 =	vmul.f32 v19, v23;
	v20 =	vmul.f32 v20, v2;
	v18 =	vadd.f32 v24, v18  }
0x81: {  	v29 =	vor.u32 $0x5, v21;
	v51 =	vunpack.i.l.bf16.f32 v22;
	v23 =	vunpack.i.l.bf16.f32 v49  }
0x82: {  	v19 =	vmul.f32 v19, v5;
	v18 =	vadd.f32 v20, v18;
	v20 =	vmul.f32 v51, v23  }
0x83: {  	v53 =	vld.idx.msk [tilespmem:v28+s17+$0x0], $0xffff;
	v52 =	vunpack.i.u.bf16.f32 v49;
	v22 =	vunpack.i.u.bf16.f32 v22  }
0x84: {  	v23 =	vld.idx.msk [tilespmem:v28+s16+$0x0], $0xffff;
	v18 =	vadd.f32 v18, v19;
	v19 =	vmul.f32 v20, v3;
	v20 =	vmul.f32 v22, v52  }
0x85: {  	v55 =	vor.u32 $0x6, v21;
	v54 =	vunpack.i.l.bf16.f32 v26;
	v22 =	vunpack.i.l.bf16.f32 v50  }
0x86: {  	v18 =	vadd.f32 v19, v18;
	v19 =	vmul.f32 v20, v8;
	v20 =	vmul.f32 v54, v22  }
0x87: {  	v57 =	vld.idx.msk [tilespmem:v29+s17+$0x0], $0xffff;
	v56 =	vunpack.i.u.bf16.f32 v50;
	v26 =	vunpack.i.u.bf16.f32 v26  }
0x88: {  	v22 =	vld.idx.msk [tilespmem:v29+s16+$0x0], $0xffff;
	v18 =	vadd.f32 v18, v19;
	v19 =	vmul.f32 v20, v4;
	v20 =	vmul.f32 v26, v56  }
0x89: {  	v21 =	vor.u32 $0x7, v21;
	v59 =	vunpack.i.l.bf16.f32 v53;
	v58 =	vunpack.i.l.bf16.f32 v23  }
0x8a: {  	v18 =	vadd.f32 v19, v18;
	v19 =	vmul.f32 v20, v10;
	v20 =	vmul.f32 v59, v58  }
0x8b: {  	v60 =	vld.idx.msk [tilespmem:v55+s16+$0x0], $0xffff;
	v25 =	vunpack.i.u.bf16.f32 v53;
	v23 =	vunpack.i.u.bf16.f32 v23  }
0x8c: {  	v61 =	vld.idx.msk [tilespmem:v55+s17+$0x0], $0xffff;
	v18 =	vadd.f32 v18, v19;
	v19 =	vmul.f32 v20, v6;
	v20 =	vmul.f32 v25, v23  }
0x8d: {  	v62 =	vunpack.i.l.bf16.f32 v57;
	v23 =	vunpack.i.l.bf16.f32 v22  }
0x8e: {  	v18 =	vadd.f32 v19, v18;
	v19 =	vmul.f32 v20, v12;
	v20 =	vmul.f32 v62, v23  }
0x8f: {  	v63 =	vld.idx.msk [tilespmem:v21+s16+$0x0], $0xffff;
	v22 =	vunpack.i.u.bf16.f32 v22;
	v23 =	vunpack.i.u.bf16.f32 v57  }
0x90: {  	v21 =	vld.idx.msk [tilespmem:v21+s17+$0x0], $0xffff;
	v18 =	vadd.f32 v18, v19;
	v19 =	vmul.f32 v20, v11;
	v20 =	vmul.f32 v23, v22  }
0x91: {  	v22 =	vunpack.i.l.bf16.f32 v60;
	v23 =	vunpack.i.l.bf16.f32 v61  }
0x92: {  	v18 =	vadd.f32 v19, v18;
	v19 =	vmul.f32 v20, v14;
	v20 =	vmul.f32 v23, v22  }
0x93: {  	v22 =	vunpack.i.u.bf16.f32 v60;
	v23 =	vunpack.i.u.bf16.f32 v61  }
0x94: {  	v18 =	vadd.f32 v18, v19;
	v19 =	vmul.f32 v20, v13;
	v20 =	vmul.f32 v23, v22  }
0x95: {  	v22 =	vunpack.i.l.bf16.f32 v63;
	v23 =	vunpack.i.l.bf16.f32 v21  }
0x96: {  	s3 =	simm.s32 $0x20;
	v18 =	vadd.f32 v19, v18;
	v19 =	vmul.f32 v20, v15;
	v20 =	vmul.f32 v23, v22  }
0x97: {  	v21 =	vunpack.i.u.bf16.f32 v21;
	v22 =	vmov s3;
	v23 =	vunpack.i.u.bf16.f32 v63  }
0x98: {  	v18 =	vadd.f32 v18, v19;
	v19 =	vmul.f32 v20, v16;
	v20 =	vmul.f32 v21, v23  }
0x99: {  	s1 =	simm.s32 $0x30;
	s3 =	simm.s32 $0x2400;
	v21 =	vshll.u32 v22, $0x3  }
.LBB2_2:
0x9a: {  	p0 =	sne.s32 s1, $0x1F0;
	v21 =	vor.u32 v0, v21;
	v18 =	vadd.f32 v19, v18;
	v19 =	vmul.f32 v20, v17;
	_ =	sdelay $0x1  }
0x9b: {  	v18 =	vadd.f32 v18, v19  }
0x9c: {  	s3 =	sadd.s32 $0x10, s3  }
0x9d: {  	v19 =	vor.u32 $0x1, v21;
	[tilespmem:s3+$0x0] =	vst v18  }
0x9e: {  	v18 =	vld.idx.msk [tilespmem:v21+s16+$0x0], $0xffff  }
0x9f: {  	v20 =	vld.idx.msk [tilespmem:v21+s17+$0x0], $0xffff;
	_ =	sdelay $0x1  }
0xa0: {  	v22 =	vor.u32 $0x2, v21  }
0xa1: {  	v23 =	vld.idx.msk [tilespmem:v19+s16+$0x0], $0xffff  }
0xa2: {  	v19 =	vld.idx.msk [tilespmem:v19+s17+$0x0], $0xffff;
	_ =	sdelay $0x1  }
0xa3: {  	v26 =	vor.u32 $0x3, v21;
	v24 =	vunpack.i.l.bf16.f32 v18;
	v25 =	vunpack.i.l.bf16.f32 v20  }
0xa4: {  	v24 =	vmul.f32 v25, v24;
	v25 =	vld.idx.msk [tilespmem:v22+s16+$0x0], $0xffff  }
0xa5: {  	v18 =	vunpack.i.u.bf16.f32 v18;
	v20 =	vunpack.i.u.bf16.f32 v20;
	v22 =	vld.idx.msk [tilespmem:v22+s17+$0x0], $0xffff  }
0xa6: {  	v18 =	vmul.f32 v20, v18;
	v24 =	vmul.f32 v24, v7  }
0xa7: {  	v28 =	vor.u32 $0x4, v21;
	v20 =	vunpack.i.l.bf16.f32 v23;
	v27 =	vunpack.i.l.bf16.f32 v19  }
0xa8: {  	v18 =	vmul.f32 v18, v1;
	v24 =	vadd.f32 v24, v9;
	v20 =	vmul.f32 v27, v20;
	v27 =	vld.idx.msk [tilespmem:v26+s16+$0x0], $0xffff  }
0xa9: {  	v23 =	vunpack.i.u.bf16.f32 v23;
	v19 =	vunpack.i.u.bf16.f32 v19;
	v26 =	vld.idx.msk [tilespmem:v26+s17+$0x0], $0xffff  }
0xaa: {  	v19 =	vmul.f32 v19, v23;
	v18 =	vadd.f32 v24, v18;
	v20 =	vmul.f32 v20, v2  }
0xab: {  	v29 =	vor.u32 $0x5, v21;
	v23 =	vunpack.i.l.bf16.f32 v25;
	v24 =	vunpack.i.l.bf16.f32 v22  }
0xac: {  	v19 =	vmul.f32 v19, v5;
	v18 =	vadd.f32 v20, v18;
	v20 =	vmul.f32 v24, v23;
	v23 =	vld.idx.msk [tilespmem:v28+s16+$0x0], $0xffff  }
0xad: {  	v22 =	vunpack.i.u.bf16.f32 v22;
	v24 =	vunpack.i.u.bf16.f32 v25;
	v25 =	vld.idx.msk [tilespmem:v28+s17+$0x0], $0xffff  }
0xae: {  	v18 =	vadd.f32 v18, v19;
	v19 =	vmul.f32 v20, v3;
	v20 =	vmul.f32 v22, v24  }
0xaf: {  	v22 =	vunpack.i.l.bf16.f32 v27;
	v28 =	vor.u32 $0x6, v21;
	v24 =	vunpack.i.l.bf16.f32 v26  }
0xb0: {  	v18 =	vadd.f32 v19, v18;
	v19 =	vmul.f32 v20, v8;
	v20 =	vmul.f32 v24, v22;
	v22 =	vld.idx.msk [tilespmem:v29+s16+$0x0], $0xffff  }
0xb1: {  	v26 =	vunpack.i.u.bf16.f32 v26;
	v24 =	vunpack.i.u.bf16.f32 v27;
	v27 =	vld.idx.msk [tilespmem:v29+s17+$0x0], $0xffff  }
0xb2: {  	v18 =	vadd.f32 v18, v19;
	v19 =	vmul.f32 v20, v4;
	v20 =	vmul.f32 v26, v24  }
0xb3: {  	v21 =	vor.u32 $0x7, v21;
	v24 =	vunpack.i.l.bf16.f32 v23;
	v26 =	vunpack.i.l.bf16.f32 v25  }
0xb4: {  	v18 =	vadd.f32 v19, v18;
	v19 =	vmul.f32 v20, v10;
	v20 =	vmul.f32 v26, v24;
	v24 =	vld.idx.msk [tilespmem:v28+s16+$0x0], $0xffff  }
0xb5: {  	v23 =	vunpack.i.u.bf16.f32 v23;
	v25 =	vunpack.i.u.bf16.f32 v25;
	v26 =	vld.idx.msk [tilespmem:v28+s17+$0x0], $0xffff  }
0xb6: {  	v18 =	vadd.f32 v18, v19;
	v19 =	vmul.f32 v20, v6;
	v20 =	vmul.f32 v25, v23  }
0xb7: {  	v23 =	vunpack.i.l.bf16.f32 v22;
	v25 =	vunpack.i.l.bf16.f32 v27  }
0xb8: {  	v18 =	vadd.f32 v19, v18;
	v19 =	vmul.f32 v20, v12;
	v20 =	vmul.f32 v25, v23;
	v23 =	vld.idx.msk [tilespmem:v21+s16+$0x0], $0xffff  }
0xb9: {  	v22 =	vunpack.i.u.bf16.f32 v22;
	v25 =	vunpack.i.u.bf16.f32 v27;
	v21 =	vld.idx.msk [tilespmem:v21+s17+$0x0], $0xffff  }
0xba: {  	v18 =	vadd.f32 v18, v19;
	v19 =	vmul.f32 v20, v11;
	v20 =	vmul.f32 v25, v22  }
0xbb: {  	v22 =	vunpack.i.l.bf16.f32 v24;
	v25 =	vunpack.i.l.bf16.f32 v26  }
0xbc: {  	v18 =	vadd.f32 v19, v18;
	v19 =	vmul.f32 v20, v14;
	v20 =	vmul.f32 v25, v22  }
0xbd: {  	v22 =	vunpack.i.u.bf16.f32 v24;
	v24 =	vunpack.i.u.bf16.f32 v26  }
0xbe: {  	v18 =	vadd.f32 v18, v19;
	v19 =	vmul.f32 v20, v13;
	v20 =	vmul.f32 v24, v22  }
.Ltmp0:
0xbf: {  	v22 =	vunpack.i.l.bf16.f32 v23;
	v24 =	vunpack.i.l.bf16.f32 v21;
	(pc) =	sbr.rel @p0 .LBB2_2-.Ltmp0, $4  }
0xc0: {  	v18 =	vadd.f32 v19, v18;
	v19 =	vmul.f32 v20, v15;
	v20 =	vmul.f32 v24, v22  }
0xc1: {  	v23 =	vunpack.i.u.bf16.f32 v23;
	v21 =	vunpack.i.u.bf16.f32 v21;
	v22 =	vmov s1  }
0xc2: {  	v18 =	vadd.f32 v18, v19;
	v19 =	vmul.f32 v20, v16;
	v20 =	vmul.f32 v21, v23  }
0xc3: {  	s1 =	sadd.s32 $0x10, s1;
	v21 =	vshll.u32 v22, $0x3  }
0xc4: {  	v21 =	vor.u32 v0, v21;
	v18 =	vadd.f32 v19, v18;
	v57 =	vmul.f32 v20, v17;
	_ =	sdelay $0x1  }
0xc5: {  	v18 =	vadd.f32 v18, v57  }
0xc6: {  	s1 =	sadd.s32 $0x10, s3  }
0xc7: {  	v58 =	vor.u32 $0x1, v21;
	[tilespmem:s1+$0x0] =	vst v18  }
0xc8: {  	v18 =	vld.idx.msk [tilespmem:v21+s16+$0x0], $0xffff  }
0xc9: {  	v59 =	vld.idx.msk [tilespmem:v21+s17+$0x0], $0xffff;
	_ =	sdelay $0x1  }
0xca: {  	v22 =	vor.u32 $0x2, v21  }
0xcb: {  	v23 =	vld.idx.msk [tilespmem:v58+s16+$0x0], $0xffff  }
0xcc: {  	v19 =	vld.idx.msk [tilespmem:v58+s17+$0x0], $0xffff  }
0xcd: {  	v24 =	vunpack.i.l.bf16.f32 v18;
	v25 =	vunpack.i.l.bf16.f32 v59  }
0xce: {  	v26 =	vor.u32 $0x3, v21;
	v24 =	vmul.f32 v25, v24  }
0xcf: {  	v60 =	vld.idx.msk [tilespmem:v22+s16+$0x0], $0xffff;
	v18 =	vunpack.i.u.bf16.f32 v18;
	v20 =	vunpack.i.u.bf16.f32 v59  }
0xd0: {  	v22 =	vld.idx.msk [tilespmem:v22+s17+$0x0], $0xffff;
	v18 =	vmul.f32 v20, v18;
	v7 =	vmul.f32 v24, v7  }
0xd1: {  	v27 =	vor.u32 $0x4, v21;
	v61 =	vunpack.i.l.bf16.f32 v23;
	v62 =	vunpack.i.l.bf16.f32 v19  }
0xd2: {  	v63 =	vmul.f32 v62, v61;
	v1 =	vmul.f32 v18, v1;
	v7 =	vadd.f32 v7, v9  }
0xd3: {  	v29 =	vld.idx.msk [tilespmem:v26+s17+$0x0], $0xffff;
	v28 =	vunpack.i.u.bf16.f32 v23;
	v19 =	vunpack.i.u.bf16.f32 v19  }
0xd4: {  	v30 =	vmul.f32 v19, v28;
	v24 =	vld.idx.msk [tilespmem:v26+s16+$0x0], $0xffff;
	v2 =	vmul.f32 v63, v2;
	v1 =	vadd.f32 v7, v1  }
0xd5: {  	v33 =	vor.u32 $0x5, v21;
	v31 =	vunpack.i.l.bf16.f32 v60;
	v32 =	vunpack.i.l.bf16.f32 v22  }
0xd6: {  	v34 =	vmul.f32 v32, v31;
	v1 =	vadd.f32 v2, v1;
	v2 =	vmul.f32 v30, v5  }
0xd7: {  	v35 =	vld.idx.msk [tilespmem:v27+s16+$0x0], $0xffff;
	v36 =	vunpack.i.u.bf16.f32 v60;
	v37 =	vunpack.i.u.bf16.f32 v22  }
0xd8: {  	v38 =	vld.idx.msk [tilespmem:v27+s17+$0x0], $0xffff;
	v1 =	vadd.f32 v1, v2;
	v2 =	vmul.f32 v34, v3;
	v3 =	vmul.f32 v37, v36  }
0xd9: {  	v41 =	vor.u32 $0x6, v21;
	v40 =	vunpack.i.l.bf16.f32 v29;
	v39 =	vunpack.i.l.bf16.f32 v24  }
0xda: {  	v1 =	vadd.f32 v2, v1;
	v2 =	vmul.f32 v3, v8;
	v3 =	vmul.f32 v40, v39  }
0xdb: {  	v42 =	vld.idx.msk [tilespmem:v33+s16+$0x0], $0xffff;
	v44 =	vunpack.i.u.bf16.f32 v29;
	v43 =	vunpack.i.u.bf16.f32 v24  }
0xdc: {  	v45 =	vld.idx.msk [tilespmem:v33+s17+$0x0], $0xffff;
	v1 =	vadd.f32 v1, v2;
	v2 =	vmul.f32 v3, v4;
	v3 =	vmul.f32 v44, v43  }
0xdd: {  	v48 =	vor.u32 $0x7, v21;
	v46 =	vunpack.i.l.bf16.f32 v35;
	v47 =	vunpack.i.l.bf16.f32 v38  }
0xde: {  	v1 =	vadd.f32 v2, v1;
	v2 =	vmul.f32 v3, v10;
	v3 =	vmul.f32 v47, v46  }
0xdf: {  	v49 =	vld.idx.msk [tilespmem:v41+s16+$0x0], $0xffff;
	v50 =	vunpack.i.u.bf16.f32 v38;
	v7 =	vunpack.i.u.bf16.f32 v35  }
0xe0: {  	v51 =	vld.idx.msk [tilespmem:v41+s17+$0x0], $0xffff;
	v1 =	vadd.f32 v1, v2;
	v2 =	vmul.f32 v3, v6;
	v3 =	vmul.f32 v50, v7  }
0xe1: {  	v52 =	vunpack.i.l.bf16.f32 v42;
	v53 =	vunpack.i.l.bf16.f32 v45  }
0xe2: {  	v1 =	vadd.f32 v2, v1;
	v2 =	vmul.f32 v3, v12;
	v3 =	vmul.f32 v53, v52  }
0xe3: {  	v54 =	vld.idx.msk [tilespmem:v48+s16+$0x0], $0xffff;
	v55 =	vunpack.i.u.bf16.f32 v45;
	v5 =	vunpack.i.u.bf16.f32 v42  }
0xe4: {  	v56 =	vld.idx.msk [tilespmem:v48+s17+$0x0], $0xffff;
	v1 =	vadd.f32 v1, v2;
	v2 =	vmul.f32 v3, v11;
	v3 =	vmul.f32 v55, v5  }
0xe5: {  	v57 =	vunpack.i.l.bf16.f32 v49;
	v58 =	vunpack.i.l.bf16.f32 v51  }
0xe6: {  	v1 =	vadd.f32 v2, v1;
	v2 =	vmul.f32 v3, v14;
	v3 =	vmul.f32 v58, v57  }
0xe7: {  	v59 =	vunpack.i.u.bf16.f32 v51;
	v4 =	vunpack.i.u.bf16.f32 v49  }
0xe8: {  	v1 =	vadd.f32 v1, v2;
	v2 =	vmul.f32 v3, v13;
	v3 =	vmul.f32 v59, v4  }
0xe9: {  	v60 =	vunpack.i.l.bf16.f32 v54;
	v61 =	vunpack.i.l.bf16.f32 v56  }
0xea: {  	v1 =	vadd.f32 v2, v1;
	v2 =	vmul.f32 v3, v15;
	v3 =	vmul.f32 v61, v60  }
0xeb: {  	v62 =	vunpack.i.u.bf16.f32 v54;
	v63 =	vunpack.i.u.bf16.f32 v56  }
0xec: {  	v1 =	vadd.f32 v1, v2;
	v2 =	vmul.f32 v3, v16;
	v3 =	vmul.f32 v63, v62;
	_ =	sdelay $0x1  }
0xed: {  	v1 =	vadd.f32 v2, v1;
	v2 =	vmul.f32 v3, v17;
	_ =	sdelay $0x1  }
0xee: {  	s0 =	sadd.s32 $0x1, s0;
	v1 =	vadd.f32 v1, v2  }
0xef: {  	p0 =	sne.s32 s0, s10;
	s1 =	sadd.s32 $0x10, s1  }
.Ltmp1:
0xf0: {  	[tilespmem:s1+$0x0] =	vst v1;
	(pc) =	sbr.rel @p0 .LBB2_1-.Ltmp1, $4  }
0xf1: {  	[hbm4b:s9+s2] =	stream.linear.scatter [tilespmem:s31], [sflag:$0x2], $0x200, $0x38;
	[tilespmem:$0x2710] =	vst v63  }
0xf2: {  	_ =	swait.ge [sflag:s11], $0x200  }
0xf3: {  	[sflag:s11] =	ssyncset.done $0x0  }
0xf4: {  	[sflag:s11] =	ssyncadd.s32 $0xFFFFFE00  }
0xf5: {  	_ =	sfence.sel $0x180000  }
0xf6: {  	[bflag:$0x0] =	sbarrier.arrive $0xFFFF  }
0xf7: {  	_ =	strace $0x90000047  }
0xf8: {  	s0 =	stileid.u32;
	[bflag:$0x2] =	sbarrier.arrive $0xFFFF  }
0xf9: {  	p0 =	sne.s32 s0, $0x0;
	s0 =	rddreg [dreg:$0x5]  }
0xfa: {  	s0 =	sadd.s32 @!p0 $0x100000, s0  }
0xfb: {  	[sflag:s0] =	ssyncadd.tile.s32 @!p0 $0x1;
	_ =	shalt  }
.Lfunc_end2:
_tile_overlayer_lowered:
.L_overlay_start_2:
0xfc: {  	(tag) =	ssettag $0x2  }
0xfd: {  	s0 =	rddreg [dreg:$0x0];
	s2 =	stileid.u32  }
0xfe: {  	s1 =	rddreg [dreg:$0x1];
	p0 =	sne.s32 s2, $0x0  }
0xff: {  	s3 =	rddreg [dreg:$0x2];
	[bflag:$0x3] =	sbarrier.arrive $0xFFFF;
	s2 =	simm.s32 @!p0 $0x1C02  }
0x100: {  	[timem:s3], [sflag:s2] =	dma.local @!p0 [hbm:s0], s1  }
0x101: {  	s0 =	simm.s32 @!p0 $0x2  }
0x102: {  	_ =	swait.ge @!p0 [sflag:s0], s1  }
0x103: {  	s1 =	ssub.s32 @!p0 $0x0, s1;
	[sflag:s0] =	ssyncset.done @!p0 $0x0  }
0x104: {  	[sflag:s0] =	ssyncadd.s32 @!p0 s1  }
0x105: {  	[bflag:$0x3] =	sbarrier.arrive $0xFFFF  }
0x106: {  	_ =	shalt  }

</sc_bundles>
